<compile_context>
chip_gen: v7x
topology: tpu7x:2x2x1
jax: 0.10.2.dev20260603
libtpu: 0.0.44.dev20260713+nightly
codegen_flags: <defaults>
</compile_context>

<pallas_src>
import functools

import jax
import jax.numpy as jnp
from jax import lax
from jax.experimental import pallas as pl
from jax.experimental.pallas import tpu as pltpu
from jax.experimental.pallas import tpu_sc as plsc

_NC, _NS = 2, 16
_NW = _NC * _NS
_LANES = 16


def _tc_pack(pe3, ms0, ms1, h):
    msp = ((ms1 + 7) // 8) * 8
    sb = 20
    hh = h // 2

    def body(pe_ref, o_ref):
        for k in range(sb):
            v = pe_ref[k].astype(jnp.bfloat16)
            lo = jax.lax.bitcast_convert_type(v[:, :hh], jnp.uint16).astype(
                jnp.int32
            )
            hi = jax.lax.bitcast_convert_type(v[:, hh:], jnp.uint16).astype(
                jnp.int32
            )
            o_ref[k * msp : k * msp + ms1, :] = lo | (hi << 16)

    return pl.pallas_call(
        body,
        grid=(ms0 // sb,),
        in_specs=[pl.BlockSpec((sb, ms1, h), lambda i: (i, 0, 0))],
        out_specs=pl.BlockSpec((sb * msp, hh), lambda i: (i, 0)),
        out_shape=jax.ShapeDtypeStruct((ms0 * msp, hh), jnp.int32),
    )(pe3)


def _sc_gather(c0, c1, pe_flat, ms0, ms1, msp, hh, n, row0, nk):
    b_per_w = nk // _NW
    ch = 64
    nch = b_per_w // ch
    mesh = plsc.VectorSubcoreMesh(core_axis_name="c", subcore_axis_name="s")

    @functools.partial(
        pl.kernel,
        mesh=mesh,
        out_type=jax.ShapeDtypeStruct((nk, hh), jnp.int32),
        scratch_types=[
            pltpu.VMEM((b_per_w,), jnp.float32),
            pltpu.VMEM((b_per_w,), jnp.float32),
            pltpu.VMEM((b_per_w,), jnp.int32),
            pltpu.VMEM((ch, hh), jnp.int32),
            pltpu.VMEM((ch, hh), jnp.int32),
            pltpu.SemaphoreType.DMA,
            pltpu.SemaphoreType.DMA,
        ],
    )
    def k(c0_hbm, c1_hbm, pe_hbm, enc_hbm, c0_v, c1_v, idx_v, rows0, rows1,
          sem0, sem1):
        wid = lax.axis_index("s") * _NC + lax.axis_index("c")
        base = wid * b_per_w
        pltpu.sync_copy(c0_hbm.at[pl.ds(row0 + base, b_per_w)], c0_v)
        pltpu.sync_copy(c1_hbm.at[pl.ds(row0 + base, b_per_w)], c1_v)

        @pl.loop(0, b_per_w, step=_LANES)
        def _(i):
            a = (c0_v[pl.ds(i, _LANES)] * float(ms0 - 1)).astype(jnp.int32)
            b = (c1_v[pl.ds(i, _LANES)] * float(ms1 - 1)).astype(jnp.int32)
            idx_v[pl.ds(i, _LANES)] = a * msp + b

        bufs = (rows0, rows1)
        sems = (sem0, sem1)

        def start(c):
            pltpu.async_copy(
                pe_hbm.at[idx_v.at[pl.ds(c * ch, ch)]],
                bufs[c % 2],
                sems[c % 2],
            )

        start(0)
        for c in range(nch):
            if c + 1 < nch:
                start(c + 1)
            pltpu.make_async_copy(
                pe_hbm.at[idx_v.at[pl.ds(c * ch, ch)]],
                bufs[c % 2],
                sems[c % 2],
            ).wait()
            pltpu.sync_copy(
                bufs[c % 2], enc_hbm.at[pl.ds(base + c * ch, ch)]
            )

    return k(c0, c1, pe_flat)


def _tc_combine(x2d, enc_k, te_row, out_init, n, d, h, row0, nk):
    rb = 1024
    hh = h // 2
    off = row0 // rb

    def body(*refs):
        x_ref, enc_ref, te_ref, o_ref = refs[-4:]
        u = enc_ref[...]
        lo = jax.lax.bitcast_convert_type(u << 16, jnp.float32)
        hi = jax.lax.bitcast_convert_type(u & jnp.int32(-65536), jnp.float32)
        o_ref[:, :hh] = x_ref[:, :hh] + lo
        o_ref[:, hh : 2 * hh] = x_ref[:, hh : 2 * hh] + hi
        o_ref[:, 2 * hh :] = x_ref[:, 2 * hh :] + te_ref[...]

    in_specs = [
        pl.BlockSpec((rb, d), lambda i, off=off: (i + off, 0)),
        pl.BlockSpec((rb, hh), lambda i: (i, 0)),
        pl.BlockSpec((1, h), lambda i: (0, 0)),
    ]
    args = [x2d, enc_k, te_row]
    aliases = {}
    if out_init is not None:
        in_specs = [pl.BlockSpec(memory_space=pl.ANY)] + in_specs
        args = [out_init] + args
        aliases = {0: 0}

    return pl.pallas_call(
        body,
        grid=(nk // rb,),
        in_specs=in_specs,
        out_specs=pl.BlockSpec((rb, d), lambda i, off=off: (i + off, 0)),
        out_shape=jax.ShapeDtypeStruct((n, d), jnp.float32),
        input_output_aliases=aliases,
    )(*args)


def kernel(x, spatial_coords, spatial_pe, temporal_pe, temporal_idx):
    B, S, D = x.shape
    H = D // 2
    HH = H // 2
    N = B * S
    MS0, MS1 = spatial_pe.shape[0], spatial_pe.shape[1]
    MSP = ((MS1 + 7) // 8) * 8
    MT = temporal_pe.shape[0]

    c0 = spatial_coords[..., 0].reshape(N)
    c1 = spatial_coords[..., 1].reshape(N)
    x2d = x.reshape(N, D)

    pe_packed = _tc_pack(spatial_pe, MS0, MS1, H)
    te_row = jax.lax.dynamic_slice_in_dim(temporal_pe, temporal_idx % MT, 1)

    sizes = [N // 4, N // 4, N // 2]
    row0s = [0, N // 4, N // 2]
    encs = [
        _sc_gather(c0, c1, pe_packed, MS0, MS1, MSP, HH, N, r0, nk)
        for r0, nk in zip(row0s, sizes)
    ]
    out = None
    for r0, nk, enc in zip(row0s, sizes, encs):
        out = _tc_combine(x2d, enc, te_row, out, N, D, H, r0, nk)
    return out.reshape(B, S, D)

# --- scband reference (transcript-rebuilt; emitter-appended) ---
"""Pipeline reference for scband-positional-encoding-59313498358145 (READ-ONLY COPY).

The authoritative reference and input builder live on the scoring server;
editing this copy changes nothing except your own understanding.
"""

import math
import jax, jax.numpy as jnp
import numpy as np


def setup_inputs(seed: int = 0) -> dict:
    key = jax.random.key(seed)
    k1, k2, k3 = jax.random.split(key, 3)
    B, S, D = 4, 4096, 1024
    MS, MT = 100, 365
    x = jax.random.normal(k1, (B, S, D), dtype=jnp.float32)
    spatial_coords = jax.random.uniform(k2, (B, S, 2), dtype=jnp.float32)
    spatial_pe = jax.random.normal(k3, (MS, MS, D // 2), dtype=jnp.float32)
    # temporal_pe buffer (sinusoidal), exactly as in the torch __init__
    pe = np.zeros((MT, D // 2), dtype=np.float32)
    position = np.arange(0, MT, dtype=np.float32)[:, None]
    div_term = np.exp(np.arange(0, D // 2, 2, dtype=np.float32) * (-math.log(10000.0) / (D // 2)))
    pe[:, 0::2] = np.sin(position * div_term)
    pe[:, 1::2] = np.cos(position * div_term)
    temporal_pe = jnp.asarray(pe)
    return {
        "x": x,
        "spatial_coords": spatial_coords,
        "spatial_pe": spatial_pe,
        "temporal_pe": temporal_pe,
        "temporal_idx": 123,
    }


def reference(x, spatial_coords, spatial_pe, temporal_pe, temporal_idx):
    B, S, _ = x.shape
    spatial_h = (spatial_coords[:, :, 0] * (spatial_pe.shape[0] - 1)).astype(jnp.int32)
    spatial_w = (spatial_coords[:, :, 1] * (spatial_pe.shape[1] - 1)).astype(jnp.int32)
    spatial_encoding = spatial_pe[spatial_h, spatial_w]  # [B, S, D/2] gather
    te = temporal_pe[temporal_idx % temporal_pe.shape[0]]  # [D/2]
    te = jnp.broadcast_to(te[None, None, :], (B, S, te.shape[0]))
    positional_encoding = jnp.concatenate([spatial_encoding, te], axis=-1)
    return x + positional_encoding

if __name__ == "__main__":
    import jax
    _d = setup_inputs()
    print(jax.jit(kernel)(*tuple(_d.values())))

</pallas_src>

<mosaic_0001>
#map = affine_map<(d0, d1) -> (0)>
#map1 = affine_map<(d0, d1) -> (0, 0)>
module attributes {stable_mosaic.version = 14 : i64} {
  func.func @k(%arg0: i32, %arg1: i32, %arg2: memref<16384xf32, #tpu.memory_space<hbm>>, %arg3: memref<16384xf32, #tpu.memory_space<hbm>>, %arg4: memref<10400x256xi32, #tpu.memory_space<hbm>>, %arg5: memref<8192x256xi32, #tpu.memory_space<hbm>>, %arg6: memref<256xf32, #tpu.memory_space<vmem>>, %arg7: memref<256xf32, #tpu.memory_space<vmem>>, %arg8: memref<256xi32, #tpu.memory_space<vmem>>, %arg9: memref<64x256xi32, #tpu.memory_space<vmem>>, %arg10: memref<64x256xi32, #tpu.memory_space<vmem>>, %arg11: memref<!tpu.dma_semaphore, #tpu.memory_space<semaphore_mem>>, %arg12: memref<!tpu.dma_semaphore, #tpu.memory_space<semaphore_mem>>) attributes {dimension_semantics = [#tpu.dimension_semantics<core_parallel>, #tpu.dimension_semantics<subcore_parallel>], iteration_bounds = array<i64: 2, 16>, scalar_prefetch = 0 : i64, scratch_operands = 7 : i64, tpu.core_type = #tpu.core_type<sc_vector_subcore>, window_params = [{transform_indices = #map}, {transform_indices = #map}, {transform_indices = #map1}, {transform_indices = #map1}]} {
    %mul3A = arith.constant 2 : i32
    %mul3A_0 = arith.muli %arg1, %mul3A : i32
    %add3A = arith.addi %mul3A_0, %arg0 : i32
    %mul3A_1 = arith.constant 256 : i32
    %mul3A_2 = arith.muli %add3A, %mul3A_1 : i32
    %add3A_3 = arith.constant 8192 : i32
    %add3A_4 = arith.addi %add3A_3, %mul3A_2 : i32
    "tpu.region"() ({
      %run_scoped3A = tpu.sem_alloc : memref<!tpu.dma_semaphore, #tpu.memory_space<semaphore_mem>>
      %dma_start3A_57 = tpu.memref_slice %arg2[%add3A_4] : memref<16384xf32, #tpu.memory_space<hbm>> -> memref<256xf32, #tpu.memory_space<hbm>>
      %dma_start3A_58 = tpu.memref_slice %arg2[%add3A_4] : memref<16384xf32, #tpu.memory_space<hbm>> -> memref<256xf32, #tpu.memory_space<hbm>>
      tpu.enqueue_dma source(%dma_start3A_58 : memref<256xf32, #tpu.memory_space<hbm>>) target(%arg6 : memref<256xf32, #tpu.memory_space<vmem>>) target_semaphore(%run_scoped3A : memref<!tpu.dma_semaphore, #tpu.memory_space<semaphore_mem>>)
      %dma_wait3A_59 = tpu.memref_slice %arg2[%add3A_4] : memref<16384xf32, #tpu.memory_space<hbm>> -> memref<256xf32, #tpu.memory_space<hbm>>
      %dma_wait3A_60 = tpu.memref_slice %arg2[%add3A_4] : memref<16384xf32, #tpu.memory_space<hbm>> -> memref<256xf32, #tpu.memory_space<hbm>>
      tpu.wait_dma2 semaphore(%run_scoped3A : memref<!tpu.dma_semaphore, #tpu.memory_space<semaphore_mem>>) src(%dma_wait3A_60 : memref<256xf32, #tpu.memory_space<hbm>>) dst(%arg6 : memref<256xf32, #tpu.memory_space<vmem>>)
      tpu.yield
    }) : () -> ()
    %add3A_5 = arith.constant 8192 : i32
    %add3A_6 = arith.addi %add3A_5, %mul3A_2 : i32
    "tpu.region"() ({
      %run_scoped3A = tpu.sem_alloc : memref<!tpu.dma_semaphore, #tpu.memory_space<semaphore_mem>>
      %dma_start3A_57 = tpu.memref_slice %arg3[%add3A_6] : memref<16384xf32, #tpu.memory_space<hbm>> -> memref<256xf32, #tpu.memory_space<hbm>>
      %dma_start3A_58 = tpu.memref_slice %arg3[%add3A_6] : memref<16384xf32, #tpu.memory_space<hbm>> -> memref<256xf32, #tpu.memory_space<hbm>>
      tpu.enqueue_dma source(%dma_start3A_58 : memref<256xf32, #tpu.memory_space<hbm>>) target(%arg7 : memref<256xf32, #tpu.memory_space<vmem>>) target_semaphore(%run_scoped3A : memref<!tpu.dma_semaphore, #tpu.memory_space<semaphore_mem>>)
      %dma_wait3A_59 = tpu.memref_slice %arg3[%add3A_6] : memref<16384xf32, #tpu.memory_space<hbm>> -> memref<256xf32, #tpu.memory_space<hbm>>
      %dma_wait3A_60 = tpu.memref_slice %arg3[%add3A_6] : memref<16384xf32, #tpu.memory_space<hbm>> -> memref<256xf32, #tpu.memory_space<hbm>>
      tpu.wait_dma2 semaphore(%run_scoped3A : memref<!tpu.dma_semaphore, #tpu.memory_space<semaphore_mem>>) src(%dma_wait3A_60 : memref<256xf32, #tpu.memory_space<hbm>>) dst(%arg7 : memref<256xf32, #tpu.memory_space<vmem>>)
      tpu.yield
    }) : () -> ()
    %scan3A = arith.constant 0 : i32
    %scan3A_7 = arith.constant 16 : i32
    %scan3A_8 = arith.addi %scan3A, %scan3A_7 : i32
    %scan3A_9 = arith.constant 1 : i32
    scf.for %scan3A_57 = %scan3A to %scan3A_8 step %scan3A_9  : i32 {
      %mul3A_58 = arith.constant 16 : i32
      %mul3A_59 = arith.muli %scan3A_57, %mul3A_58 : i32
      %add3A_60 = arith.constant 0 : i32
      %add3A_61 = arith.addi %add3A_60, %mul3A_59 : i32
      %get3A = arith.index_cast %add3A_61 : i32 to index
      %get3A_62 = tpu.vector_load %arg6[%get3A] {strides = array<i32>} : memref<256xf32, #tpu.memory_space<vmem>>, vector<16xf32>,
      %get3A_63 = vector.shape_cast %get3A_62 : vector<16xf32> to vector<16xf32>
      %mul3A_64 = arith.constant 9.900000e+01 : f32
      %mul3A_65 = vector.broadcast %mul3A_64 : f32 to vector<16xf32>
      %mul3A_66 = arith.mulf %get3A_63, %mul3A_65 : vector<16xf32>
      %convert_element_type3A = arith.fptosi %mul3A_66 : vector<16xf32> to vector<16xi32>
      %get3A_67 = arith.index_cast %add3A_61 : i32 to index
      %get3A_68 = tpu.vector_load %arg7[%get3A_67] {strides = array<i32>} : memref<256xf32, #tpu.memory_space<vmem>>, vector<16xf32>,
      %get3A_69 = vector.shape_cast %get3A_68 : vector<16xf32> to vector<16xf32>
      %mul3A_70 = arith.constant 9.900000e+01 : f32
      %mul3A_71 = vector.broadcast %mul3A_70 : f32 to vector<16xf32>
      %mul3A_72 = arith.mulf %get3A_69, %mul3A_71 : vector<16xf32>
      %convert_element_type3A_73 = arith.fptosi %mul3A_72 : vector<16xf32> to vector<16xi32>
      %mul3A_74 = arith.constant 104 : i32
      %mul3A_75 = vector.broadcast %mul3A_74 : i32 to vector<16xi32>
      %mul3A_76 = arith.muli %convert_element_type3A, %mul3A_75 : vector<16xi32>
      %add3A_77 = arith.addi %mul3A_76, %convert_element_type3A_73 : vector<16xi32>
      %swap3A = arith.index_cast %add3A_61 : i32 to index
      %swap3A_78 = tpu.vector_load %arg8[%swap3A] {strides = array<i32>} : memref<256xi32, #tpu.memory_space<vmem>>, vector<16xi32>,
      %swap3A_79 = vector.shape_cast %swap3A_78 : vector<16xi32> to vector<16xi32>
      %swap3A_80 = vector.shape_cast %add3A_77 : vector<16xi32> to vector<16xi32>
      tpu.vector_store %arg8[%swap3A], %swap3A_80 {strides = array<i32>} : memref<256xi32, #tpu.memory_space<vmem>>, vector<16xi32>,
    }
    %scan3A_10 = arith.constant 16 : i32
    %dma_start3A = arith.constant 0 : i32
    %dma_start3A_11 = tpu.memref_slice %arg8[%dma_start3A] : memref<256xi32, #tpu.memory_space<vmem>> -> memref<64xi32, #tpu.memory_space<vmem>>
    %dma_start3A_12 = arith.constant 0 : i32
    %dma_start3A_13 = arith.constant 0 : i32
    %dma_start3A_14 = tpu.memref_slice %arg4[%dma_start3A_12, %dma_start3A_13] : memref<10400x256xi32, #tpu.memory_space<hbm>> -> memref<10400x256xi32, #tpu.memory_space<hbm>>
    tpu.enqueue_indirect_dma source(%dma_start3A_14 : memref<10400x256xi32, #tpu.memory_space<hbm>>) target(%arg9 : memref<64x256xi32, #tpu.memory_space<vmem>>) offsets(%dma_start3A_11 : memref<64xi32, #tpu.memory_space<vmem>>) semaphore(%arg11 : memref<!tpu.dma_semaphore, #tpu.memory_space<semaphore_mem>>)
    %dma_start3A_15 = arith.constant 64 : i32
    %dma_start3A_16 = tpu.memref_slice %arg8[%dma_start3A_15] : memref<256xi32, #tpu.memory_space<vmem>> -> memref<64xi32, #tpu.memory_space<vmem>>
    %dma_start3A_17 = arith.constant 0 : i32
    %dma_start3A_18 = arith.constant 0 : i32
    %dma_start3A_19 = tpu.memref_slice %arg4[%dma_start3A_17, %dma_start3A_18] : memref<10400x256xi32, #tpu.memory_space<hbm>> -> memref<10400x256xi32, #tpu.memory_space<hbm>>
    tpu.enqueue_indirect_dma source(%dma_start3A_19 : memref<10400x256xi32, #tpu.memory_space<hbm>>) target(%arg10 : memref<64x256xi32, #tpu.memory_space<vmem>>) offsets(%dma_start3A_16 : memref<64xi32, #tpu.memory_space<vmem>>) semaphore(%arg12 : memref<!tpu.dma_semaphore, #tpu.memory_space<semaphore_mem>>)
    %dma_wait3A = arith.constant 0 : i32
    %dma_wait3A_20 = tpu.memref_slice %arg8[%dma_wait3A] : memref<256xi32, #tpu.memory_space<vmem>> -> memref<64xi32, #tpu.memory_space<vmem>>
    %dma_wait3A_21 = arith.constant 0 : i32
    %dma_wait3A_22 = arith.constant 0 : i32
    %dma_wait3A_23 = tpu.memref_slice %arg4[%dma_wait3A_21, %dma_wait3A_22] : memref<10400x256xi32, #tpu.memory_space<hbm>> -> memref<10400x256xi32, #tpu.memory_space<hbm>>
    tpu.wait_indirect_dma semaphore(%arg11 : memref<!tpu.dma_semaphore, #tpu.memory_space<semaphore_mem>>) src(%dma_wait3A_23 : memref<10400x256xi32, #tpu.memory_space<hbm>>) dst(%arg9 : memref<64x256xi32, #tpu.memory_space<vmem>>)
    %add3A_24 = arith.constant 0 : i32
    %add3A_25 = arith.addi %mul3A_2, %add3A_24 : i32
    "tpu.region"() ({
      %run_scoped3A = tpu.sem_alloc : memref<!tpu.dma_semaphore, #tpu.memory_space<semaphore_mem>>
      %dma_start3A_57 = arith.constant 0 : i32
      %dma_start3A_58 = tpu.memref_slice %arg5[%add3A_25, %dma_start3A_57] : memref<8192x256xi32, #tpu.memory_space<hbm>> -> memref<64x256xi32, #tpu.memory_space<hbm>>
      %dma_start3A_59 = arith.constant 0 : i32
      %dma_start3A_60 = tpu.memref_slice %arg5[%add3A_25, %dma_start3A_59] : memref<8192x256xi32, #tpu.memory_space<hbm>> -> memref<64x256xi32, #tpu.memory_space<hbm>>
      tpu.enqueue_dma source(%arg9 : memref<64x256xi32, #tpu.memory_space<vmem>>) target(%dma_start3A_60 : memref<64x256xi32, #tpu.memory_space<hbm>>) target_semaphore(%run_scoped3A : memref<!tpu.dma_semaphore, #tpu.memory_space<semaphore_mem>>)
      %dma_wait3A_61 = arith.constant 0 : i32
      %dma_wait3A_62 = tpu.memref_slice %arg5[%add3A_25, %dma_wait3A_61] : memref<8192x256xi32, #tpu.memory_space<hbm>> -> memref<64x256xi32, #tpu.memory_space<hbm>>
      %dma_wait3A_63 = arith.constant 0 : i32
      %dma_wait3A_64 = tpu.memref_slice %arg5[%add3A_25, %dma_wait3A_63] : memref<8192x256xi32, #tpu.memory_space<hbm>> -> memref<64x256xi32, #tpu.memory_space<hbm>>
      tpu.wait_dma2 semaphore(%run_scoped3A : memref<!tpu.dma_semaphore, #tpu.memory_space<semaphore_mem>>) src(%arg9 : memref<64x256xi32, #tpu.memory_space<vmem>>) dst(%dma_wait3A_64 : memref<64x256xi32, #tpu.memory_space<hbm>>)
      tpu.yield
    }) : () -> ()
    %dma_start3A_26 = arith.constant 128 : i32
    %dma_start3A_27 = tpu.memref_slice %arg8[%dma_start3A_26] : memref<256xi32, #tpu.memory_space<vmem>> -> memref<64xi32, #tpu.memory_space<vmem>>
    %dma_start3A_28 = arith.constant 0 : i32
    %dma_start3A_29 = arith.constant 0 : i32
    %dma_start3A_30 = tpu.memref_slice %arg4[%dma_start3A_28, %dma_start3A_29] : memref<10400x256xi32, #tpu.memory_space<hbm>> -> memref<10400x256xi32, #tpu.memory_space<hbm>>
    tpu.enqueue_indirect_dma source(%dma_start3A_30 : memref<10400x256xi32, #tpu.memory_space<hbm>>) target(%arg9 : memref<64x256xi32, #tpu.memory_space<vmem>>) offsets(%dma_start3A_27 : memref<64xi32, #tpu.memory_space<vmem>>) semaphore(%arg11 : memref<!tpu.dma_semaphore, #tpu.memory_space<semaphore_mem>>)
    %dma_wait3A_31 = arith.constant 64 : i32
    %dma_wait3A_32 = tpu.memref_slice %arg8[%dma_wait3A_31] : memref<256xi32, #tpu.memory_space<vmem>> -> memref<64xi32, #tpu.memory_space<vmem>>
    %dma_wait3A_33 = arith.constant 0 : i32
    %dma_wait3A_34 = arith.constant 0 : i32
    %dma_wait3A_35 = tpu.memref_slice %arg4[%dma_wait3A_33, %dma_wait3A_34] : memref<10400x256xi32, #tpu.memory_space<hbm>> -> memref<10400x256xi32, #tpu.memory_space<hbm>>
    tpu.wait_indirect_dma semaphore(%arg12 : memref<!tpu.dma_semaphore, #tpu.memory_space<semaphore_mem>>) src(%dma_wait3A_35 : memref<10400x256xi32, #tpu.memory_space<hbm>>) dst(%arg10 : memref<64x256xi32, #tpu.memory_space<vmem>>)
    %add3A_36 = arith.constant 64 : i32
    %add3A_37 = arith.addi %mul3A_2, %add3A_36 : i32
    "tpu.region"() ({
      %run_scoped3A = tpu.sem_alloc : memref<!tpu.dma_semaphore, #tpu.memory_space<semaphore_mem>>
      %dma_start3A_57 = arith.constant 0 : i32
      %dma_start3A_58 = tpu.memref_slice %arg5[%add3A_37, %dma_start3A_57] : memref<8192x256xi32, #tpu.memory_space<hbm>> -> memref<64x256xi32, #tpu.memory_space<hbm>>
      %dma_start3A_59 = arith.constant 0 : i32
      %dma_start3A_60 = tpu.memref_slice %arg5[%add3A_37, %dma_start3A_59] : memref<8192x256xi32, #tpu.memory_space<hbm>> -> memref<64x256xi32, #tpu.memory_space<hbm>>
      tpu.enqueue_dma source(%arg10 : memref<64x256xi32, #tpu.memory_space<vmem>>) target(%dma_start3A_60 : memref<64x256xi32, #tpu.memory_space<hbm>>) target_semaphore(%run_scoped3A : memref<!tpu.dma_semaphore, #tpu.memory_space<semaphore_mem>>)
      %dma_wait3A_61 = arith.constant 0 : i32
      %dma_wait3A_62 = tpu.memref_slice %arg5[%add3A_37, %dma_wait3A_61] : memref<8192x256xi32, #tpu.memory_space<hbm>> -> memref<64x256xi32, #tpu.memory_space<hbm>>
      %dma_wait3A_63 = arith.constant 0 : i32
      %dma_wait3A_64 = tpu.memref_slice %arg5[%add3A_37, %dma_wait3A_63] : memref<8192x256xi32, #tpu.memory_space<hbm>> -> memref<64x256xi32, #tpu.memory_space<hbm>>
      tpu.wait_dma2 semaphore(%run_scoped3A : memref<!tpu.dma_semaphore, #tpu.memory_space<semaphore_mem>>) src(%arg10 : memref<64x256xi32, #tpu.memory_space<vmem>>) dst(%dma_wait3A_64 : memref<64x256xi32, #tpu.memory_space<hbm>>)
      tpu.yield
    }) : () -> ()
    %dma_start3A_38 = arith.constant 192 : i32
    %dma_start3A_39 = tpu.memref_slice %arg8[%dma_start3A_38] : memref<256xi32, #tpu.memory_space<vmem>> -> memref<64xi32, #tpu.memory_space<vmem>>
    %dma_start3A_40 = arith.constant 0 : i32
    %dma_start3A_41 = arith.constant 0 : i32
    %dma_start3A_42 = tpu.memref_slice %arg4[%dma_start3A_40, %dma_start3A_41] : memref<10400x256xi32, #tpu.memory_space<hbm>> -> memref<10400x256xi32, #tpu.memory_space<hbm>>
    tpu.enqueue_indirect_dma source(%dma_start3A_42 : memref<10400x256xi32, #tpu.memory_space<hbm>>) target(%arg10 : memref<64x256xi32, #tpu.memory_space<vmem>>) offsets(%dma_start3A_39 : memref<64xi32, #tpu.memory_space<vmem>>) semaphore(%arg12 : memref<!tpu.dma_semaphore, #tpu.memory_space<semaphore_mem>>)
    %dma_wait3A_43 = arith.constant 128 : i32
    %dma_wait3A_44 = tpu.memref_slice %arg8[%dma_wait3A_43] : memref<256xi32, #tpu.memory_space<vmem>> -> memref<64xi32, #tpu.memory_space<vmem>>
    %dma_wait3A_45 = arith.constant 0 : i32
    %dma_wait3A_46 = arith.constant 0 : i32
    %dma_wait3A_47 = tpu.memref_slice %arg4[%dma_wait3A_45, %dma_wait3A_46] : memref<10400x256xi32, #tpu.memory_space<hbm>> -> memref<10400x256xi32, #tpu.memory_space<hbm>>
    tpu.wait_indirect_dma semaphore(%arg11 : memref<!tpu.dma_semaphore, #tpu.memory_space<semaphore_mem>>) src(%dma_wait3A_47 : memref<10400x256xi32, #tpu.memory_space<hbm>>) dst(%arg9 : memref<64x256xi32, #tpu.memory_space<vmem>>)
    %add3A_48 = arith.constant 128 : i32
    %add3A_49 = arith.addi %mul3A_2, %add3A_48 : i32
    "tpu.region"() ({
      %run_scoped3A = tpu.sem_alloc : memref<!tpu.dma_semaphore, #tpu.memory_space<semaphore_mem>>
      %dma_start3A_57 = arith.constant 0 : i32
      %dma_start3A_58 = tpu.memref_slice %arg5[%add3A_49, %dma_start3A_57] : memref<8192x256xi32, #tpu.memory_space<hbm>> -> memref<64x256xi32, #tpu.memory_space<hbm>>
      %dma_start3A_59 = arith.constant 0 : i32
      %dma_start3A_60 = tpu.memref_slice %arg5[%add3A_49, %dma_start3A_59] : memref<8192x256xi32, #tpu.memory_space<hbm>> -> memref<64x256xi32, #tpu.memory_space<hbm>>
      tpu.enqueue_dma source(%arg9 : memref<64x256xi32, #tpu.memory_space<vmem>>) target(%dma_start3A_60 : memref<64x256xi32, #tpu.memory_space<hbm>>) target_semaphore(%run_scoped3A : memref<!tpu.dma_semaphore, #tpu.memory_space<semaphore_mem>>)
      %dma_wait3A_61 = arith.constant 0 : i32
      %dma_wait3A_62 = tpu.memref_slice %arg5[%add3A_49, %dma_wait3A_61] : memref<8192x256xi32, #tpu.memory_space<hbm>> -> memref<64x256xi32, #tpu.memory_space<hbm>>
      %dma_wait3A_63 = arith.constant 0 : i32
      %dma_wait3A_64 = tpu.memref_slice %arg5[%add3A_49, %dma_wait3A_63] : memref<8192x256xi32, #tpu.memory_space<hbm>> -> memref<64x256xi32, #tpu.memory_space<hbm>>
      tpu.wait_dma2 semaphore(%run_scoped3A : memref<!tpu.dma_semaphore, #tpu.memory_space<semaphore_mem>>) src(%arg9 : memref<64x256xi32, #tpu.memory_space<vmem>>) dst(%dma_wait3A_64 : memref<64x256xi32, #tpu.memory_space<hbm>>)
      tpu.yield
    }) : () -> ()
    %dma_wait3A_50 = arith.constant 192 : i32
    %dma_wait3A_51 = tpu.memref_slice %arg8[%dma_wait3A_50] : memref<256xi32, #tpu.memory_space<vmem>> -> memref<64xi32, #tpu.memory_space<vmem>>
    %dma_wait3A_52 = arith.constant 0 : i32
    %dma_wait3A_53 = arith.constant 0 : i32
    %dma_wait3A_54 = tpu.memref_slice %arg4[%dma_wait3A_52, %dma_wait3A_53] : memref<10400x256xi32, #tpu.memory_space<hbm>> -> memref<10400x256xi32, #tpu.memory_space<hbm>>
    tpu.wait_indirect_dma semaphore(%arg12 : memref<!tpu.dma_semaphore, #tpu.memory_space<semaphore_mem>>) src(%dma_wait3A_54 : memref<10400x256xi32, #tpu.memory_space<hbm>>) dst(%arg10 : memref<64x256xi32, #tpu.memory_space<vmem>>)
    %add3A_55 = arith.constant 192 : i32
    %add3A_56 = arith.addi %mul3A_2, %add3A_55 : i32
    "tpu.region"() ({
      %run_scoped3A = tpu.sem_alloc : memref<!tpu.dma_semaphore, #tpu.memory_space<semaphore_mem>>
      %dma_start3A_57 = arith.constant 0 : i32
      %dma_start3A_58 = tpu.memref_slice %arg5[%add3A_56, %dma_start3A_57] : memref<8192x256xi32, #tpu.memory_space<hbm>> -> memref<64x256xi32, #tpu.memory_space<hbm>>
      %dma_start3A_59 = arith.constant 0 : i32
      %dma_start3A_60 = tpu.memref_slice %arg5[%add3A_56, %dma_start3A_59] : memref<8192x256xi32, #tpu.memory_space<hbm>> -> memref<64x256xi32, #tpu.memory_space<hbm>>
      tpu.enqueue_dma source(%arg10 : memref<64x256xi32, #tpu.memory_space<vmem>>) target(%dma_start3A_60 : memref<64x256xi32, #tpu.memory_space<hbm>>) target_semaphore(%run_scoped3A : memref<!tpu.dma_semaphore, #tpu.memory_space<semaphore_mem>>)
      %dma_wait3A_61 = arith.constant 0 : i32
      %dma_wait3A_62 = tpu.memref_slice %arg5[%add3A_56, %dma_wait3A_61] : memref<8192x256xi32, #tpu.memory_space<hbm>> -> memref<64x256xi32, #tpu.memory_space<hbm>>
      %dma_wait3A_63 = arith.constant 0 : i32
      %dma_wait3A_64 = tpu.memref_slice %arg5[%add3A_56, %dma_wait3A_63] : memref<8192x256xi32, #tpu.memory_space<hbm>> -> memref<64x256xi32, #tpu.memory_space<hbm>>
      tpu.wait_dma2 semaphore(%run_scoped3A : memref<!tpu.dma_semaphore, #tpu.memory_space<semaphore_mem>>) src(%arg10 : memref<64x256xi32, #tpu.memory_space<vmem>>) dst(%dma_wait3A_64 : memref<64x256xi32, #tpu.memory_space<hbm>>)
      tpu.yield
    }) : () -> ()
    return
  }
}

#map = affine_map<(d0, d1) -> (0)>
#map1 = affine_map<(d0, d1) -> (0, 0)>
module attributes {stable_mosaic.version = 14 : i64} {
  func.func @k(%arg0: i32, %arg1: i32, %arg2: memref<16384xf32, #tpu.memory_space<hbm>>, %arg3: memref<16384xf32, #tpu.memory_space<hbm>>, %arg4: memref<10400x256xi32, #tpu.memory_space<hbm>>, %arg5: memref<4096x256xi32, #tpu.memory_space<hbm>>, %arg6: memref<128xf32, #tpu.memory_space<vmem>>, %arg7: memref<128xf32, #tpu.memory_space<vmem>>, %arg8: memref<128xi32, #tpu.memory_space<vmem>>, %arg9: memref<64x256xi32, #tpu.memory_space<vmem>>, %arg10: memref<64x256xi32, #tpu.memory_space<vmem>>, %arg11: memref<!tpu.dma_semaphore, #tpu.memory_space<semaphore_mem>>, %arg12: memref<!tpu.dma_semaphore, #tpu.memory_space<semaphore_mem>>) attributes {dimension_semantics = [#tpu.dimension_semantics<core_parallel>, #tpu.dimension_semantics<subcore_parallel>], iteration_bounds = array<i64: 2, 16>, scalar_prefetch = 0 : i64, scratch_operands = 7 : i64, tpu.core_type = #tpu.core_type<sc_vector_subcore>, window_params = [{transform_indices = #map}, {transform_indices = #map}, {transform_indices = #map1}, {transform_indices = #map1}]} {
    %mul3A = arith.constant 2 : i32
    %mul3A_0 = arith.muli %arg1, %mul3A : i32
    %add3A = arith.addi %mul3A_0, %arg0 : i32
    %mul3A_1 = arith.constant 128 : i32
    %mul3A_2 = arith.muli %add3A, %mul3A_1 : i32
    %add3A_3 = arith.constant 4096 : i32
    %add3A_4 = arith.addi %add3A_3, %mul3A_2 : i32
    "tpu.region"() ({
      %run_scoped3A = tpu.sem_alloc : memref<!tpu.dma_semaphore, #tpu.memory_space<semaphore_mem>>
      %dma_start3A_33 = tpu.memref_slice %arg2[%add3A_4] : memref<16384xf32, #tpu.memory_space<hbm>> -> memref<128xf32, #tpu.memory_space<hbm>>
      %dma_start3A_34 = tpu.memref_slice %arg2[%add3A_4] : memref<16384xf32, #tpu.memory_space<hbm>> -> memref<128xf32, #tpu.memory_space<hbm>>
      tpu.enqueue_dma source(%dma_start3A_34 : memref<128xf32, #tpu.memory_space<hbm>>) target(%arg6 : memref<128xf32, #tpu.memory_space<vmem>>) target_semaphore(%run_scoped3A : memref<!tpu.dma_semaphore, #tpu.memory_space<semaphore_mem>>)
      %dma_wait3A_35 = tpu.memref_slice %arg2[%add3A_4] : memref<16384xf32, #tpu.memory_space<hbm>> -> memref<128xf32, #tpu.memory_space<hbm>>
      %dma_wait3A_36 = tpu.memref_slice %arg2[%add3A_4] : memref<16384xf32, #tpu.memory_space<hbm>> -> memref<128xf32, #tpu.memory_space<hbm>>
      tpu.wait_dma2 semaphore(%run_scoped3A : memref<!tpu.dma_semaphore, #tpu.memory_space<semaphore_mem>>) src(%dma_wait3A_36 : memref<128xf32, #tpu.memory_space<hbm>>) dst(%arg6 : memref<128xf32, #tpu.memory_space<vmem>>)
      tpu.yield
    }) : () -> ()
    %add3A_5 = arith.constant 4096 : i32
    %add3A_6 = arith.addi %add3A_5, %mul3A_2 : i32
    "tpu.region"() ({
      %run_scoped3A = tpu.sem_alloc : memref<!tpu.dma_semaphore, #tpu.memory_space<semaphore_mem>>
      %dma_start3A_33 = tpu.memref_slice %arg3[%add3A_6] : memref<16384xf32, #tpu.memory_space<hbm>> -> memref<128xf32, #tpu.memory_space<hbm>>
      %dma_start3A_34 = tpu.memref_slice %arg3[%add3A_6] : memref<16384xf32, #tpu.memory_space<hbm>> -> memref<128xf32, #tpu.memory_space<hbm>>
      tpu.enqueue_dma source(%dma_start3A_34 : memref<128xf32, #tpu.memory_space<hbm>>) target(%arg7 : memref<128xf32, #tpu.memory_space<vmem>>) target_semaphore(%run_scoped3A : memref<!tpu.dma_semaphore, #tpu.memory_space<semaphore_mem>>)
      %dma_wait3A_35 = tpu.memref_slice %arg3[%add3A_6] : memref<16384xf32, #tpu.memory_space<hbm>> -> memref<128xf32, #tpu.memory_space<hbm>>
      %dma_wait3A_36 = tpu.memref_slice %arg3[%add3A_6] : memref<16384xf32, #tpu.memory_space<hbm>> -> memref<128xf32, #tpu.memory_space<hbm>>
      tpu.wait_dma2 semaphore(%run_scoped3A : memref<!tpu.dma_semaphore, #tpu.memory_space<semaphore_mem>>) src(%dma_wait3A_36 : memref<128xf32, #tpu.memory_space<hbm>>) dst(%arg7 : memref<128xf32, #tpu.memory_space<vmem>>)
      tpu.yield
    }) : () -> ()
    %scan3A = arith.constant 0 : i32
    %scan3A_7 = arith.constant 8 : i32
    %scan3A_8 = arith.addi %scan3A, %scan3A_7 : i32
    %scan3A_9 = arith.constant 1 : i32
    scf.for %scan3A_33 = %scan3A to %scan3A_8 step %scan3A_9  : i32 {
      %mul3A_34 = arith.constant 16 : i32
      %mul3A_35 = arith.muli %scan3A_33, %mul3A_34 : i32
      %add3A_36 = arith.constant 0 : i32
      %add3A_37 = arith.addi %add3A_36, %mul3A_35 : i32
      %get3A = arith.index_cast %add3A_37 : i32 to index
      %get3A_38 = tpu.vector_load %arg6[%get3A] {strides = array<i32>} : memref<128xf32, #tpu.memory_space<vmem>>, vector<16xf32>,
      %get3A_39 = vector.shape_cast %get3A_38 : vector<16xf32> to vector<16xf32>
      %mul3A_40 = arith.constant 9.900000e+01 : f32
      %mul3A_41 = vector.broadcast %mul3A_40 : f32 to vector<16xf32>
      %mul3A_42 = arith.mulf %get3A_39, %mul3A_41 : vector<16xf32>
      %convert_element_type3A = arith.fptosi %mul3A_42 : vector<16xf32> to vector<16xi32>
      %get3A_43 = arith.index_cast %add3A_37 : i32 to index
      %get3A_44 = tpu.vector_load %arg7[%get3A_43] {strides = array<i32>} : memref<128xf32, #tpu.memory_space<vmem>>, vector<16xf32>,
      %get3A_45 = vector.shape_cast %get3A_44 : vector<16xf32> to vector<16xf32>
      %mul3A_46 = arith.constant 9.900000e+01 : f32
      %mul3A_47 = vector.broadcast %mul3A_46 : f32 to vector<16xf32>
      %mul3A_48 = arith.mulf %get3A_45, %mul3A_47 : vector<16xf32>
      %convert_element_type3A_49 = arith.fptosi %mul3A_48 : vector<16xf32> to vector<16xi32>
      %mul3A_50 = arith.constant 104 : i32
      %mul3A_51 = vector.broadcast %mul3A_50 : i32 to vector<16xi32>
      %mul3A_52 = arith.muli %convert_element_type3A, %mul3A_51 : vector<16xi32>
      %add3A_53 = arith.addi %mul3A_52, %convert_element_type3A_49 : vector<16xi32>
      %swap3A = arith.index_cast %add3A_37 : i32 to index
      %swap3A_54 = tpu.vector_load %arg8[%swap3A] {strides = array<i32>} : memref<128xi32, #tpu.memory_space<vmem>>, vector<16xi32>,
      %swap3A_55 = vector.shape_cast %swap3A_54 : vector<16xi32> to vector<16xi32>
      %swap3A_56 = vector.shape_cast %add3A_53 : vector<16xi32> to vector<16xi32>
      tpu.vector_store %arg8[%swap3A], %swap3A_56 {strides = array<i32>} : memref<128xi32, #tpu.memory_space<vmem>>, vector<16xi32>,
    }
    %scan3A_10 = arith.constant 8 : i32
    %dma_start3A = arith.constant 0 : i32
    %dma_start3A_11 = tpu.memref_slice %arg8[%dma_start3A] : memref<128xi32, #tpu.memory_space<vmem>> -> memref<64xi32, #tpu.memory_space<vmem>>
    %dma_start3A_12 = arith.constant 0 : i32
    %dma_start3A_13 = arith.constant 0 : i32
    %dma_start3A_14 = tpu.memref_slice %arg4[%dma_start3A_12, %dma_start3A_13] : memref<10400x256xi32, #tpu.memory_space<hbm>> -> memref<10400x256xi32, #tpu.memory_space<hbm>>
    tpu.enqueue_indirect_dma source(%dma_start3A_14 : memref<10400x256xi32, #tpu.memory_space<hbm>>) target(%arg9 : memref<64x256xi32, #tpu.memory_space<vmem>>) offsets(%dma_start3A_11 : memref<64xi32, #tpu.memory_space<vmem>>) semaphore(%arg11 : memref<!tpu.dma_semaphore, #tpu.memory_space<semaphore_mem>>)
    %dma_start3A_15 = arith.constant 64 : i32
    %dma_start3A_16 = tpu.memref_slice %arg8[%dma_start3A_15] : memref<128xi32, #tpu.memory_space<vmem>> -> memref<64xi32, #tpu.memory_space<vmem>>
    %dma_start3A_17 = arith.constant 0 : i32
    %dma_start3A_18 = arith.constant 0 : i32
    %dma_start3A_19 = tpu.memref_slice %arg4[%dma_start3A_17, %dma_start3A_18] : memref<10400x256xi32, #tpu.memory_space<hbm>> -> memref<10400x256xi32, #tpu.memory_space<hbm>>
    tpu.enqueue_indirect_dma source(%dma_start3A_19 : memref<10400x256xi32, #tpu.memory_space<hbm>>) target(%arg10 : memref<64x256xi32, #tpu.memory_space<vmem>>) offsets(%dma_start3A_16 : memref<64xi32, #tpu.memory_space<vmem>>) semaphore(%arg12 : memref<!tpu.dma_semaphore, #tpu.memory_space<semaphore_mem>>)
    %dma_wait3A = arith.constant 0 : i32
    %dma_wait3A_20 = tpu.memref_slice %arg8[%dma_wait3A] : memref<128xi32, #tpu.memory_space<vmem>> -> memref<64xi32, #tpu.memory_space<vmem>>
    %dma_wait3A_21 = arith.constant 0 : i32
    %dma_wait3A_22 = arith.constant 0 : i32
    %dma_wait3A_23 = tpu.memref_slice %arg4[%dma_wait3A_21, %dma_wait3A_22] : memref<10400x256xi32, #tpu.memory_space<hbm>> -> memref<10400x256xi32, #tpu.memory_space<hbm>>
    tpu.wait_indirect_dma semaphore(%arg11 : memref<!tpu.dma_semaphore, #tpu.memory_space<semaphore_mem>>) src(%dma_wait3A_23 : memref<10400x256xi32, #tpu.memory_space<hbm>>) dst(%arg9 : memref<64x256xi32, #tpu.memory_space<vmem>>)
    %add3A_24 = arith.constant 0 : i32
    %add3A_25 = arith.addi %mul3A_2, %add3A_24 : i32
    "tpu.region"() ({
      %run_scoped3A = tpu.sem_alloc : memref<!tpu.dma_semaphore, #tpu.memory_space<semaphore_mem>>
      %dma_start3A_33 = arith.constant 0 : i32
      %dma_start3A_34 = tpu.memref_slice %arg5[%add3A_25, %dma_start3A_33] : memref<4096x256xi32, #tpu.memory_space<hbm>> -> memref<64x256xi32, #tpu.memory_space<hbm>>
      %dma_start3A_35 = arith.constant 0 : i32
      %dma_start3A_36 = tpu.memref_slice %arg5[%add3A_25, %dma_start3A_35] : memref<4096x256xi32, #tpu.memory_space<hbm>> -> memref<64x256xi32, #tpu.memory_space<hbm>>
      tpu.enqueue_dma source(%arg9 : memref<64x256xi32, #tpu.memory_space<vmem>>) target(%dma_start3A_36 : memref<64x256xi32, #tpu.memory_space<hbm>>) target_semaphore(%run_scoped3A : memref<!tpu.dma_semaphore, #tpu.memory_space<semaphore_mem>>)
      %dma_wait3A_37 = arith.constant 0 : i32
      %dma_wait3A_38 = tpu.memref_slice %arg5[%add3A_25, %dma_wait3A_37] : memref<4096x256xi32, #tpu.memory_space<hbm>> -> memref<64x256xi32, #tpu.memory_space<hbm>>
      %dma_wait3A_39 = arith.constant 0 : i32
      %dma_wait3A_40 = tpu.memref_slice %arg5[%add3A_25, %dma_wait3A_39] : memref<4096x256xi32, #tpu.memory_space<hbm>> -> memref<64x256xi32, #tpu.memory_space<hbm>>
      tpu.wait_dma2 semaphore(%run_scoped3A : memref<!tpu.dma_semaphore, #tpu.memory_space<semaphore_mem>>) src(%arg9 : memref<64x256xi32, #tpu.memory_space<vmem>>) dst(%dma_wait3A_40 : memref<64x256xi32, #tpu.memory_space<hbm>>)
      tpu.yield
    }) : () -> ()
    %dma_wait3A_26 = arith.constant 64 : i32
    %dma_wait3A_27 = tpu.memref_slice %arg8[%dma_wait3A_26] : memref<128xi32, #tpu.memory_space<vmem>> -> memref<64xi32, #tpu.memory_space<vmem>>
    %dma_wait3A_28 = arith.constant 0 : i32
    %dma_wait3A_29 = arith.constant 0 : i32
    %dma_wait3A_30 = tpu.memref_slice %arg4[%dma_wait3A_28, %dma_wait3A_29] : memref<10400x256xi32, #tpu.memory_space<hbm>> -> memref<10400x256xi32, #tpu.memory_space<hbm>>
    tpu.wait_indirect_dma semaphore(%arg12 : memref<!tpu.dma_semaphore, #tpu.memory_space<semaphore_mem>>) src(%dma_wait3A_30 : memref<10400x256xi32, #tpu.memory_space<hbm>>) dst(%arg10 : memref<64x256xi32, #tpu.memory_space<vmem>>)
    %add3A_31 = arith.constant 64 : i32
    %add3A_32 = arith.addi %mul3A_2, %add3A_31 : i32
    "tpu.region"() ({
      %run_scoped3A = tpu.sem_alloc : memref<!tpu.dma_semaphore, #tpu.memory_space<semaphore_mem>>
      %dma_start3A_33 = arith.constant 0 : i32
      %dma_start3A_34 = tpu.memref_slice %arg5[%add3A_32, %dma_start3A_33] : memref<4096x256xi32, #tpu.memory_space<hbm>> -> memref<64x256xi32, #tpu.memory_space<hbm>>
      %dma_start3A_35 = arith.constant 0 : i32
      %dma_start3A_36 = tpu.memref_slice %arg5[%add3A_32, %dma_start3A_35] : memref<4096x256xi32, #tpu.memory_space<hbm>> -> memref<64x256xi32, #tpu.memory_space<hbm>>
      tpu.enqueue_dma source(%arg10 : memref<64x256xi32, #tpu.memory_space<vmem>>) target(%dma_start3A_36 : memref<64x256xi32, #tpu.memory_space<hbm>>) target_semaphore(%run_scoped3A : memref<!tpu.dma_semaphore, #tpu.memory_space<semaphore_mem>>)
      %dma_wait3A_37 = arith.constant 0 : i32
      %dma_wait3A_38 = tpu.memref_slice %arg5[%add3A_32, %dma_wait3A_37] : memref<4096x256xi32, #tpu.memory_space<hbm>> -> memref<64x256xi32, #tpu.memory_space<hbm>>
      %dma_wait3A_39 = arith.constant 0 : i32
      %dma_wait3A_40 = tpu.memref_slice %arg5[%add3A_32, %dma_wait3A_39] : memref<4096x256xi32, #tpu.memory_space<hbm>> -> memref<64x256xi32, #tpu.memory_space<hbm>>
      tpu.wait_dma2 semaphore(%run_scoped3A : memref<!tpu.dma_semaphore, #tpu.memory_space<semaphore_mem>>) src(%arg10 : memref<64x256xi32, #tpu.memory_space<vmem>>) dst(%dma_wait3A_40 : memref<64x256xi32, #tpu.memory_space<hbm>>)
      tpu.yield
    }) : () -> ()
    return
  }
}

#map = affine_map<(d0, d1) -> (0)>
#map1 = affine_map<(d0, d1) -> (0, 0)>
module attributes {stable_mosaic.version = 14 : i64} {
  func.func @k(%arg0: i32, %arg1: i32, %arg2: memref<16384xf32, #tpu.memory_space<hbm>>, %arg3: memref<16384xf32, #tpu.memory_space<hbm>>, %arg4: memref<10400x256xi32, #tpu.memory_space<hbm>>, %arg5: memref<4096x256xi32, #tpu.memory_space<hbm>>, %arg6: memref<128xf32, #tpu.memory_space<vmem>>, %arg7: memref<128xf32, #tpu.memory_space<vmem>>, %arg8: memref<128xi32, #tpu.memory_space<vmem>>, %arg9: memref<64x256xi32, #tpu.memory_space<vmem>>, %arg10: memref<64x256xi32, #tpu.memory_space<vmem>>, %arg11: memref<!tpu.dma_semaphore, #tpu.memory_space<semaphore_mem>>, %arg12: memref<!tpu.dma_semaphore, #tpu.memory_space<semaphore_mem>>) attributes {dimension_semantics = [#tpu.dimension_semantics<core_parallel>, #tpu.dimension_semantics<subcore_parallel>], iteration_bounds = array<i64: 2, 16>, scalar_prefetch = 0 : i64, scratch_operands = 7 : i64, tpu.core_type = #tpu.core_type<sc_vector_subcore>, window_params = [{transform_indices = #map}, {transform_indices = #map}, {transform_indices = #map1}, {transform_indices = #map1}]} {
    %mul3A = arith.constant 2 : i32
    %mul3A_0 = arith.muli %arg1, %mul3A : i32
    %add3A = arith.addi %mul3A_0, %arg0 : i32
    %mul3A_1 = arith.constant 128 : i32
    %mul3A_2 = arith.muli %add3A, %mul3A_1 : i32
    %add3A_3 = arith.constant 0 : i32
    %add3A_4 = arith.addi %add3A_3, %mul3A_2 : i32
    "tpu.region"() ({
      %run_scoped3A = tpu.sem_alloc : memref<!tpu.dma_semaphore, #tpu.memory_space<semaphore_mem>>
      %dma_start3A_33 = tpu.memref_slice %arg2[%add3A_4] : memref<16384xf32, #tpu.memory_space<hbm>> -> memref<128xf32, #tpu.memory_space<hbm>>
      %dma_start3A_34 = tpu.memref_slice %arg2[%add3A_4] : memref<16384xf32, #tpu.memory_space<hbm>> -> memref<128xf32, #tpu.memory_space<hbm>>
      tpu.enqueue_dma source(%dma_start3A_34 : memref<128xf32, #tpu.memory_space<hbm>>) target(%arg6 : memref<128xf32, #tpu.memory_space<vmem>>) target_semaphore(%run_scoped3A : memref<!tpu.dma_semaphore, #tpu.memory_space<semaphore_mem>>)
      %dma_wait3A_35 = tpu.memref_slice %arg2[%add3A_4] : memref<16384xf32, #tpu.memory_space<hbm>> -> memref<128xf32, #tpu.memory_space<hbm>>
      %dma_wait3A_36 = tpu.memref_slice %arg2[%add3A_4] : memref<16384xf32, #tpu.memory_space<hbm>> -> memref<128xf32, #tpu.memory_space<hbm>>
      tpu.wait_dma2 semaphore(%run_scoped3A : memref<!tpu.dma_semaphore, #tpu.memory_space<semaphore_mem>>) src(%dma_wait3A_36 : memref<128xf32, #tpu.memory_space<hbm>>) dst(%arg6 : memref<128xf32, #tpu.memory_space<vmem>>)
      tpu.yield
    }) : () -> ()
    %add3A_5 = arith.constant 0 : i32
    %add3A_6 = arith.addi %add3A_5, %mul3A_2 : i32
    "tpu.region"() ({
      %run_scoped3A = tpu.sem_alloc : memref<!tpu.dma_semaphore, #tpu.memory_space<semaphore_mem>>
      %dma_start3A_33 = tpu.memref_slice %arg3[%add3A_6] : memref<16384xf32, #tpu.memory_space<hbm>> -> memref<128xf32, #tpu.memory_space<hbm>>
      %dma_start3A_34 = tpu.memref_slice %arg3[%add3A_6] : memref<16384xf32, #tpu.memory_space<hbm>> -> memref<128xf32, #tpu.memory_space<hbm>>
      tpu.enqueue_dma source(%dma_start3A_34 : memref<128xf32, #tpu.memory_space<hbm>>) target(%arg7 : memref<128xf32, #tpu.memory_space<vmem>>) target_semaphore(%run_scoped3A : memref<!tpu.dma_semaphore, #tpu.memory_space<semaphore_mem>>)
      %dma_wait3A_35 = tpu.memref_slice %arg3[%add3A_6] : memref<16384xf32, #tpu.memory_space<hbm>> -> memref<128xf32, #tpu.memory_space<hbm>>
      %dma_wait3A_36 = tpu.memref_slice %arg3[%add3A_6] : memref<16384xf32, #tpu.memory_space<hbm>> -> memref<128xf32, #tpu.memory_space<hbm>>
      tpu.wait_dma2 semaphore(%run_scoped3A : memref<!tpu.dma_semaphore, #tpu.memory_space<semaphore_mem>>) src(%dma_wait3A_36 : memref<128xf32, #tpu.memory_space<hbm>>) dst(%arg7 : memref<128xf32, #tpu.memory_space<vmem>>)
      tpu.yield
    }) : () -> ()
    %scan3A = arith.constant 0 : i32
    %scan3A_7 = arith.constant 8 : i32
    %scan3A_8 = arith.addi %scan3A, %scan3A_7 : i32
    %scan3A_9 = arith.constant 1 : i32
    scf.for %scan3A_33 = %scan3A to %scan3A_8 step %scan3A_9  : i32 {
      %mul3A_34 = arith.constant 16 : i32
      %mul3A_35 = arith.muli %scan3A_33, %mul3A_34 : i32
      %add3A_36 = arith.constant 0 : i32
      %add3A_37 = arith.addi %add3A_36, %mul3A_35 : i32
      %get3A = arith.index_cast %add3A_37 : i32 to index
      %get3A_38 = tpu.vector_load %arg6[%get3A] {strides = array<i32>} : memref<128xf32, #tpu.memory_space<vmem>>, vector<16xf32>,
      %get3A_39 = vector.shape_cast %get3A_38 : vector<16xf32> to vector<16xf32>
      %mul3A_40 = arith.constant 9.900000e+01 : f32
      %mul3A_41 = vector.broadcast %mul3A_40 : f32 to vector<16xf32>
      %mul3A_42 = arith.mulf %get3A_39, %mul3A_41 : vector<16xf32>
      %convert_element_type3A = arith.fptosi %mul3A_42 : vector<16xf32> to vector<16xi32>
      %get3A_43 = arith.index_cast %add3A_37 : i32 to index
      %get3A_44 = tpu.vector_load %arg7[%get3A_43] {strides = array<i32>} : memref<128xf32, #tpu.memory_space<vmem>>, vector<16xf32>,
      %get3A_45 = vector.shape_cast %get3A_44 : vector<16xf32> to vector<16xf32>
      %mul3A_46 = arith.constant 9.900000e+01 : f32
      %mul3A_47 = vector.broadcast %mul3A_46 : f32 to vector<16xf32>
      %mul3A_48 = arith.mulf %get3A_45, %mul3A_47 : vector<16xf32>
      %convert_element_type3A_49 = arith.fptosi %mul3A_48 : vector<16xf32> to vector<16xi32>
      %mul3A_50 = arith.constant 104 : i32
      %mul3A_51 = vector.broadcast %mul3A_50 : i32 to vector<16xi32>
      %mul3A_52 = arith.muli %convert_element_type3A, %mul3A_51 : vector<16xi32>
      %add3A_53 = arith.addi %mul3A_52, %convert_element_type3A_49 : vector<16xi32>
      %swap3A = arith.index_cast %add3A_37 : i32 to index
      %swap3A_54 = tpu.vector_load %arg8[%swap3A] {strides = array<i32>} : memref<128xi32, #tpu.memory_space<vmem>>, vector<16xi32>,
      %swap3A_55 = vector.shape_cast %swap3A_54 : vector<16xi32> to vector<16xi32>
      %swap3A_56 = vector.shape_cast %add3A_53 : vector<16xi32> to vector<16xi32>
      tpu.vector_store %arg8[%swap3A], %swap3A_56 {strides = array<i32>} : memref<128xi32, #tpu.memory_space<vmem>>, vector<16xi32>,
    }
    %scan3A_10 = arith.constant 8 : i32
    %dma_start3A = arith.constant 0 : i32
    %dma_start3A_11 = tpu.memref_slice %arg8[%dma_start3A] : memref<128xi32, #tpu.memory_space<vmem>> -> memref<64xi32, #tpu.memory_space<vmem>>
    %dma_start3A_12 = arith.constant 0 : i32
    %dma_start3A_13 = arith.constant 0 : i32
    %dma_start3A_14 = tpu.memref_slice %arg4[%dma_start3A_12, %dma_start3A_13] : memref<10400x256xi32, #tpu.memory_space<hbm>> -> memref<10400x256xi32, #tpu.memory_space<hbm>>
    tpu.enqueue_indirect_dma source(%dma_start3A_14 : memref<10400x256xi32, #tpu.memory_space<hbm>>) target(%arg9 : memref<64x256xi32, #tpu.memory_space<vmem>>) offsets(%dma_start3A_11 : memref<64xi32, #tpu.memory_space<vmem>>) semaphore(%arg11 : memref<!tpu.dma_semaphore, #tpu.memory_space<semaphore_mem>>)
    %dma_start3A_15 = arith.constant 64 : i32
    %dma_start3A_16 = tpu.memref_slice %arg8[%dma_start3A_15] : memref<128xi32, #tpu.memory_space<vmem>> -> memref<64xi32, #tpu.memory_space<vmem>>
    %dma_start3A_17 = arith.constant 0 : i32
    %dma_start3A_18 = arith.constant 0 : i32
    %dma_start3A_19 = tpu.memref_slice %arg4[%dma_start3A_17, %dma_start3A_18] : memref<10400x256xi32, #tpu.memory_space<hbm>> -> memref<10400x256xi32, #tpu.memory_space<hbm>>
    tpu.enqueue_indirect_dma source(%dma_start3A_19 : memref<10400x256xi32, #tpu.memory_space<hbm>>) target(%arg10 : memref<64x256xi32, #tpu.memory_space<vmem>>) offsets(%dma_start3A_16 : memref<64xi32, #tpu.memory_space<vmem>>) semaphore(%arg12 : memref<!tpu.dma_semaphore, #tpu.memory_space<semaphore_mem>>)
    %dma_wait3A = arith.constant 0 : i32
    %dma_wait3A_20 = tpu.memref_slice %arg8[%dma_wait3A] : memref<128xi32, #tpu.memory_space<vmem>> -> memref<64xi32, #tpu.memory_space<vmem>>
    %dma_wait3A_21 = arith.constant 0 : i32
    %dma_wait3A_22 = arith.constant 0 : i32
    %dma_wait3A_23 = tpu.memref_slice %arg4[%dma_wait3A_21, %dma_wait3A_22] : memref<10400x256xi32, #tpu.memory_space<hbm>> -> memref<10400x256xi32, #tpu.memory_space<hbm>>
    tpu.wait_indirect_dma semaphore(%arg11 : memref<!tpu.dma_semaphore, #tpu.memory_space<semaphore_mem>>) src(%dma_wait3A_23 : memref<10400x256xi32, #tpu.memory_space<hbm>>) dst(%arg9 : memref<64x256xi32, #tpu.memory_space<vmem>>)
    %add3A_24 = arith.constant 0 : i32
    %add3A_25 = arith.addi %mul3A_2, %add3A_24 : i32
    "tpu.region"() ({
      %run_scoped3A = tpu.sem_alloc : memref<!tpu.dma_semaphore, #tpu.memory_space<semaphore_mem>>
      %dma_start3A_33 = arith.constant 0 : i32
      %dma_start3A_34 = tpu.memref_slice %arg5[%add3A_25, %dma_start3A_33] : memref<4096x256xi32, #tpu.memory_space<hbm>> -> memref<64x256xi32, #tpu.memory_space<hbm>>
      %dma_start3A_35 = arith.constant 0 : i32
      %dma_start3A_36 = tpu.memref_slice %arg5[%add3A_25, %dma_start3A_35] : memref<4096x256xi32, #tpu.memory_space<hbm>> -> memref<64x256xi32, #tpu.memory_space<hbm>>
      tpu.enqueue_dma source(%arg9 : memref<64x256xi32, #tpu.memory_space<vmem>>) target(%dma_start3A_36 : memref<64x256xi32, #tpu.memory_space<hbm>>) target_semaphore(%run_scoped3A : memref<!tpu.dma_semaphore, #tpu.memory_space<semaphore_mem>>)
      %dma_wait3A_37 = arith.constant 0 : i32
      %dma_wait3A_38 = tpu.memref_slice %arg5[%add3A_25, %dma_wait3A_37] : memref<4096x256xi32, #tpu.memory_space<hbm>> -> memref<64x256xi32, #tpu.memory_space<hbm>>
      %dma_wait3A_39 = arith.constant 0 : i32
      %dma_wait3A_40 = tpu.memref_slice %arg5[%add3A_25, %dma_wait3A_39] : memref<4096x256xi32, #tpu.memory_space<hbm>> -> memref<64x256xi32, #tpu.memory_space<hbm>>
      tpu.wait_dma2 semaphore(%run_scoped3A : memref<!tpu.dma_semaphore, #tpu.memory_space<semaphore_mem>>) src(%arg9 : memref<64x256xi32, #tpu.memory_space<vmem>>) dst(%dma_wait3A_40 : memref<64x256xi32, #tpu.memory_space<hbm>>)
      tpu.yield
    }) : () -> ()
    %dma_wait3A_26 = arith.constant 64 : i32
    %dma_wait3A_27 = tpu.memref_slice %arg8[%dma_wait3A_26] : memref<128xi32, #tpu.memory_space<vmem>> -> memref<64xi32, #tpu.memory_space<vmem>>
    %dma_wait3A_28 = arith.constant 0 : i32
    %dma_wait3A_29 = arith.constant 0 : i32
    %dma_wait3A_30 = tpu.memref_slice %arg4[%dma_wait3A_28, %dma_wait3A_29] : memref<10400x256xi32, #tpu.memory_space<hbm>> -> memref<10400x256xi32, #tpu.memory_space<hbm>>
    tpu.wait_indirect_dma semaphore(%arg12 : memref<!tpu.dma_semaphore, #tpu.memory_space<semaphore_mem>>) src(%dma_wait3A_30 : memref<10400x256xi32, #tpu.memory_space<hbm>>) dst(%arg10 : memref<64x256xi32, #tpu.memory_space<vmem>>)
    %add3A_31 = arith.constant 64 : i32
    %add3A_32 = arith.addi %mul3A_2, %add3A_31 : i32
    "tpu.region"() ({
      %run_scoped3A = tpu.sem_alloc : memref<!tpu.dma_semaphore, #tpu.memory_space<semaphore_mem>>
      %dma_start3A_33 = arith.constant 0 : i32
      %dma_start3A_34 = tpu.memref_slice %arg5[%add3A_32, %dma_start3A_33] : memref<4096x256xi32, #tpu.memory_space<hbm>> -> memref<64x256xi32, #tpu.memory_space<hbm>>
      %dma_start3A_35 = arith.constant 0 : i32
      %dma_start3A_36 = tpu.memref_slice %arg5[%add3A_32, %dma_start3A_35] : memref<4096x256xi32, #tpu.memory_space<hbm>> -> memref<64x256xi32, #tpu.memory_space<hbm>>
      tpu.enqueue_dma source(%arg10 : memref<64x256xi32, #tpu.memory_space<vmem>>) target(%dma_start3A_36 : memref<64x256xi32, #tpu.memory_space<hbm>>) target_semaphore(%run_scoped3A : memref<!tpu.dma_semaphore, #tpu.memory_space<semaphore_mem>>)
      %dma_wait3A_37 = arith.constant 0 : i32
      %dma_wait3A_38 = tpu.memref_slice %arg5[%add3A_32, %dma_wait3A_37] : memref<4096x256xi32, #tpu.memory_space<hbm>> -> memref<64x256xi32, #tpu.memory_space<hbm>>
      %dma_wait3A_39 = arith.constant 0 : i32
      %dma_wait3A_40 = tpu.memref_slice %arg5[%add3A_32, %dma_wait3A_39] : memref<4096x256xi32, #tpu.memory_space<hbm>> -> memref<64x256xi32, #tpu.memory_space<hbm>>
      tpu.wait_dma2 semaphore(%run_scoped3A : memref<!tpu.dma_semaphore, #tpu.memory_space<semaphore_mem>>) src(%arg10 : memref<64x256xi32, #tpu.memory_space<vmem>>) dst(%dma_wait3A_40 : memref<64x256xi32, #tpu.memory_space<hbm>>)
      tpu.yield
    }) : () -> ()
    return
  }
}

module attributes {stable_mosaic.version = 14 : i64} {
  func.func @body(%arg0: i32, %arg1: memref<16384x1024xf32, #tpu.memory_space<any>>, %arg2: memref<1024x1024xf32, #tpu.memory_space<vmem>>, %arg3: memref<1024x256xi32, #tpu.memory_space<vmem>>, %arg4: memref<1x512xf32, #tpu.memory_space<vmem>>, %arg5: memref<1024x1024xf32, #tpu.memory_space<vmem>>) attributes {dimension_semantics = [#tpu.dimension_semantics<arbitrary>], iteration_bounds = array<i64: 4>, scalar_prefetch = 0 : i64, scratch_operands = 0 : i64, tpu.core_type = #tpu.core_type<tc>, window_params = [{}, {transform_indices = @transform_1, window_bounds = array<i64: 1024, 1024>}, {transform_indices = @transform_2, window_bounds = array<i64: 1024, 256>}, {pipeline_mode = #tpu.pipeline_mode<synchronous>, transform_indices = @transform_3, window_bounds = array<i64: 1, 512>}, {transform_indices = @transform_4, window_bounds = array<i64: 1024, 1024>}]} {
    %get3A = arith.constant 0 : index
    %get3A_0 = arith.constant 0 : index
    %get3A_1 = vector.load %arg3[%get3A, %get3A_0] : memref<1024x256xi32, #tpu.memory_space<vmem>>, vector<1024x256xi32>
    %shift_left3A = arith.constant 16 : i32
    %shift_left3A_2 = vector.broadcast %shift_left3A : i32 to vector<1024x256xi32>
    %shift_left3A_3 = arith.shli %get3A_1, %shift_left3A_2 : vector<1024x256xi32>
    %bitcast_convert_type3A = tpu.bitcast %shift_left3A_3 : vector<1024x256xi32> -> vector<1024x256xf32>
    %and3A = arith.constant -65536 : i32
    %and3A_4 = vector.broadcast %and3A : i32 to vector<1024x256xi32>
    %and3A_5 = arith.andi %get3A_1, %and3A_4 : vector<1024x256xi32>
    %bitcast_convert_type3A_6 = tpu.bitcast %and3A_5 : vector<1024x256xi32> -> vector<1024x256xf32>
    %get3A_7 = arith.constant 0 : index
    %get3A_8 = arith.constant 0 : index
    %get3A_9 = vector.load %arg2[%get3A_7, %get3A_8] : memref<1024x1024xf32, #tpu.memory_space<vmem>>, vector<1024x256xf32>
    %add3A = arith.addf %get3A_9, %bitcast_convert_type3A : vector<1024x256xf32>
    %swap3A = arith.constant 0 : index
    %swap3A_10 = arith.constant 0 : index
    %swap3A_11 = vector.load %arg5[%swap3A, %swap3A_10] : memref<1024x1024xf32, #tpu.memory_space<vmem>>, vector<1024x256xf32>
    tpu.vector_store %arg5[%swap3A, %swap3A_10], %add3A {strides = array<i32>} : memref<1024x1024xf32, #tpu.memory_space<vmem>>, vector<1024x256xf32>,
    %get3A_12 = arith.constant 0 : index
    %get3A_13 = arith.constant 256 : index
    %get3A_14 = vector.load %arg2[%get3A_12, %get3A_13] : memref<1024x1024xf32, #tpu.memory_space<vmem>>, vector<1024x256xf32>
    %add3A_15 = arith.addf %get3A_14, %bitcast_convert_type3A_6 : vector<1024x256xf32>
    %swap3A_16 = arith.constant 0 : index
    %swap3A_17 = arith.constant 256 : index
    %swap3A_18 = vector.load %arg5[%swap3A_16, %swap3A_17] : memref<1024x1024xf32, #tpu.memory_space<vmem>>, vector<1024x256xf32>
    tpu.vector_store %arg5[%swap3A_16, %swap3A_17], %add3A_15 {strides = array<i32>} : memref<1024x1024xf32, #tpu.memory_space<vmem>>, vector<1024x256xf32>,
    %get3A_19 = arith.constant 0 : index
    %get3A_20 = arith.constant 512 : index
    %get3A_21 = vector.load %arg2[%get3A_19, %get3A_20] : memref<1024x1024xf32, #tpu.memory_space<vmem>>, vector<1024x512xf32>
    %get3A_22 = arith.constant 0 : index
    %get3A_23 = arith.constant 0 : index
    %get3A_24 = vector.load %arg4[%get3A_22, %get3A_23] : memref<1x512xf32, #tpu.memory_space<vmem>>, vector<1x512xf32>
    %add3A_25 = vector.broadcast %get3A_24 : vector<1x512xf32> to vector<1024x512xf32>
    %add3A_26 = arith.addf %get3A_21, %add3A_25 : vector<1024x512xf32>
    %swap3A_27 = arith.constant 0 : index
    %swap3A_28 = arith.constant 512 : index
    %swap3A_29 = vector.load %arg5[%swap3A_27, %swap3A_28] : memref<1024x1024xf32, #tpu.memory_space<vmem>>, vector<1024x512xf32>
    tpu.vector_store %arg5[%swap3A_27, %swap3A_28], %add3A_26 {strides = array<i32>} : memref<1024x1024xf32, #tpu.memory_space<vmem>>, vector<1024x512xf32>,
    return
  }
  func.func @transform_1(%arg0: i32) -> (i32, i32) {
    %add3A = arith.constant 4 : i32
    %add3A_0 = arith.addi %arg0, %add3A : i32
    %c0_i32 = arith.constant 0 : i32
    %c0_i32_1 = arith.constant 0 : i32
    return %add3A_0, %c0_i32 : i32, i32
  }
  func.func @transform_2(%arg0: i32) -> (i32, i32) {
    %c0_i32 = arith.constant 0 : i32
    %c0_i32_0 = arith.constant 0 : i32
    return %arg0, %c0_i32 : i32, i32
  }
  func.func @transform_3(%arg0: i32) -> (i32, i32) {
    %c0_i32 = arith.constant 0 : i32
    %c0_i32_0 = arith.constant 0 : i32
    %c0_i32_1 = arith.constant 0 : i32
    return %c0_i32, %c0_i32_0 : i32, i32
  }
  func.func @transform_4(%arg0: i32) -> (i32, i32) {
    %add3A = arith.constant 4 : i32
    %add3A_0 = arith.addi %arg0, %add3A : i32
    %c0_i32 = arith.constant 0 : i32
    %c0_i32_1 = arith.constant 0 : i32
    return %add3A_0, %c0_i32 : i32, i32
  }
}

module attributes {stable_mosaic.version = 14 : i64} {
  func.func @body(%arg0: i32, %arg1: memref<20x100x512xf32, #tpu.memory_space<vmem>>, %arg2: memref<2080x256xi32, #tpu.memory_space<vmem>>) attributes {dimension_semantics = [#tpu.dimension_semantics<arbitrary>], iteration_bounds = array<i64: 5>, scalar_prefetch = 0 : i64, scratch_operands = 0 : i64, tpu.core_type = #tpu.core_type<tc>, window_params = [{transform_indices = @transform_0, window_bounds = array<i64: 20, 100, 512>}, {transform_indices = @transform_1, window_bounds = array<i64: 2080, 256>}]} {
    %get3A = arith.constant 0 : index
    %get3A_0 = arith.constant 0 : index
    %get3A_1 = arith.constant 0 : index
    %get3A_2 = vector.load %arg1[%get3A, %get3A_0, %get3A_1] : memref<20x100x512xf32, #tpu.memory_space<vmem>>, vector<1x100x512xf32>
    %get3A_3 = vector.shape_cast %get3A_2 : vector<1x100x512xf32> to vector<100x512xf32>
    %convert_element_type3A = arith.truncf %get3A_3 : vector<100x512xf32> to vector<100x512xbf16>
    %slice3A = vector.extract_strided_slice %convert_element_type3A {offsets = [0, 0], sizes = [100, 256], strides = [1, 1]} : vector<100x512xbf16> to vector<100x256xbf16>
    %bitcast_convert_type3A = tpu.bitcast %slice3A : vector<100x256xbf16> -> vector<100x256xi16>
    %convert_element_type3A_4 = arith.extui %bitcast_convert_type3A : vector<100x256xi16> to vector<100x256xi32>
    %slice3A_5 = vector.extract_strided_slice %convert_element_type3A {offsets = [0, 256], sizes = [100, 256], strides = [1, 1]} : vector<100x512xbf16> to vector<100x256xbf16>
    %bitcast_convert_type3A_6 = tpu.bitcast %slice3A_5 : vector<100x256xbf16> -> vector<100x256xi16>
    %convert_element_type3A_7 = arith.extui %bitcast_convert_type3A_6 : vector<100x256xi16> to vector<100x256xi32>
    %shift_left3A = arith.constant 16 : i32
    %shift_left3A_8 = vector.broadcast %shift_left3A : i32 to vector<100x256xi32>
    %shift_left3A_9 = arith.shli %convert_element_type3A_7, %shift_left3A_8 : vector<100x256xi32>
    %or3A = arith.ori %convert_element_type3A_4, %shift_left3A_9 : vector<100x256xi32>
    %swap3A = arith.constant 0 : index
    %swap3A_10 = arith.constant 0 : index
    %swap3A_11 = vector.load %arg2[%swap3A, %swap3A_10] : memref<2080x256xi32, #tpu.memory_space<vmem>>, vector<100x256xi32>
    tpu.vector_store %arg2[%swap3A, %swap3A_10], %or3A {strides = array<i32>} : memref<2080x256xi32, #tpu.memory_space<vmem>>, vector<100x256xi32>,
    %get3A_12 = arith.constant 1 : index
    %get3A_13 = arith.constant 0 : index
    %get3A_14 = arith.constant 0 : index
    %get3A_15 = vector.load %arg1[%get3A_12, %get3A_13, %get3A_14] : memref<20x100x512xf32, #tpu.memory_space<vmem>>, vector<1x100x512xf32>
    %get3A_16 = vector.shape_cast %get3A_15 : vector<1x100x512xf32> to vector<100x512xf32>
    %convert_element_type3A_17 = arith.truncf %get3A_16 : vector<100x512xf32> to vector<100x512xbf16>
    %slice3A_18 = vector.extract_strided_slice %convert_element_type3A_17 {offsets = [0, 0], sizes = [100, 256], strides = [1, 1]} : vector<100x512xbf16> to vector<100x256xbf16>
    %bitcast_convert_type3A_19 = tpu.bitcast %slice3A_18 : vector<100x256xbf16> -> vector<100x256xi16>
    %convert_element_type3A_20 = arith.extui %bitcast_convert_type3A_19 : vector<100x256xi16> to vector<100x256xi32>
    %slice3A_21 = vector.extract_strided_slice %convert_element_type3A_17 {offsets = [0, 256], sizes = [100, 256], strides = [1, 1]} : vector<100x512xbf16> to vector<100x256xbf16>
    %bitcast_convert_type3A_22 = tpu.bitcast %slice3A_21 : vector<100x256xbf16> -> vector<100x256xi16>
    %convert_element_type3A_23 = arith.extui %bitcast_convert_type3A_22 : vector<100x256xi16> to vector<100x256xi32>
    %shift_left3A_24 = arith.constant 16 : i32
    %shift_left3A_25 = vector.broadcast %shift_left3A_24 : i32 to vector<100x256xi32>
    %shift_left3A_26 = arith.shli %convert_element_type3A_23, %shift_left3A_25 : vector<100x256xi32>
    %or3A_27 = arith.ori %convert_element_type3A_20, %shift_left3A_26 : vector<100x256xi32>
    %swap3A_28 = arith.constant 104 : index
    %swap3A_29 = arith.constant 0 : index
    %swap3A_30 = vector.load %arg2[%swap3A_28, %swap3A_29] : memref<2080x256xi32, #tpu.memory_space<vmem>>, vector<100x256xi32>
    tpu.vector_store %arg2[%swap3A_28, %swap3A_29], %or3A_27 {strides = array<i32>} : memref<2080x256xi32, #tpu.memory_space<vmem>>, vector<100x256xi32>,
    %get3A_31 = arith.constant 2 : index
    %get3A_32 = arith.constant 0 : index
    %get3A_33 = arith.constant 0 : index
    %get3A_34 = vector.load %arg1[%get3A_31, %get3A_32, %get3A_33] : memref<20x100x512xf32, #tpu.memory_space<vmem>>, vector<1x100x512xf32>
    %get3A_35 = vector.shape_cast %get3A_34 : vector<1x100x512xf32> to vector<100x512xf32>
    %convert_element_type3A_36 = arith.truncf %get3A_35 : vector<100x512xf32> to vector<100x512xbf16>
    %slice3A_37 = vector.extract_strided_slice %convert_element_type3A_36 {offsets = [0, 0], sizes = [100, 256], strides = [1, 1]} : vector<100x512xbf16> to vector<100x256xbf16>
    %bitcast_convert_type3A_38 = tpu.bitcast %slice3A_37 : vector<100x256xbf16> -> vector<100x256xi16>
    %convert_element_type3A_39 = arith.extui %bitcast_convert_type3A_38 : vector<100x256xi16> to vector<100x256xi32>
    %slice3A_40 = vector.extract_strided_slice %convert_element_type3A_36 {offsets = [0, 256], sizes = [100, 256], strides = [1, 1]} : vector<100x512xbf16> to vector<100x256xbf16>
    %bitcast_convert_type3A_41 = tpu.bitcast %slice3A_40 : vector<100x256xbf16> -> vector<100x256xi16>
    %convert_element_type3A_42 = arith.extui %bitcast_convert_type3A_41 : vector<100x256xi16> to vector<100x256xi32>
    %shift_left3A_43 = arith.constant 16 : i32
    %shift_left3A_44 = vector.broadcast %shift_left3A_43 : i32 to vector<100x256xi32>
    %shift_left3A_45 = arith.shli %convert_element_type3A_42, %shift_left3A_44 : vector<100x256xi32>
    %or3A_46 = arith.ori %convert_element_type3A_39, %shift_left3A_45 : vector<100x256xi32>
    %swap3A_47 = arith.constant 208 : index
    %swap3A_48 = arith.constant 0 : index
    %swap3A_49 = vector.load %arg2[%swap3A_47, %swap3A_48] : memref<2080x256xi32, #tpu.memory_space<vmem>>, vector<100x256xi32>
    tpu.vector_store %arg2[%swap3A_47, %swap3A_48], %or3A_46 {strides = array<i32>} : memref<2080x256xi32, #tpu.memory_space<vmem>>, vector<100x256xi32>,
    %get3A_50 = arith.constant 3 : index
    %get3A_51 = arith.constant 0 : index
    %get3A_52 = arith.constant 0 : index
    %get3A_53 = vector.load %arg1[%get3A_50, %get3A_51, %get3A_52] : memref<20x100x512xf32, #tpu.memory_space<vmem>>, vector<1x100x512xf32>
    %get3A_54 = vector.shape_cast %get3A_53 : vector<1x100x512xf32> to vector<100x512xf32>
    %convert_element_type3A_55 = arith.truncf %get3A_54 : vector<100x512xf32> to vector<100x512xbf16>
    %slice3A_56 = vector.extract_strided_slice %convert_element_type3A_55 {offsets = [0, 0], sizes = [100, 256], strides = [1, 1]} : vector<100x512xbf16> to vector<100x256xbf16>
    %bitcast_convert_type3A_57 = tpu.bitcast %slice3A_56 : vector<100x256xbf16> -> vector<100x256xi16>
    %convert_element_type3A_58 = arith.extui %bitcast_convert_type3A_57 : vector<100x256xi16> to vector<100x256xi32>
    %slice3A_59 = vector.extract_strided_slice %convert_element_type3A_55 {offsets = [0, 256], sizes = [100, 256], strides = [1, 1]} : vector<100x512xbf16> to vector<100x256xbf16>
    %bitcast_convert_type3A_60 = tpu.bitcast %slice3A_59 : vector<100x256xbf16> -> vector<100x256xi16>
    %convert_element_type3A_61 = arith.extui %bitcast_convert_type3A_60 : vector<100x256xi16> to vector<100x256xi32>
    %shift_left3A_62 = arith.constant 16 : i32
    %shift_left3A_63 = vector.broadcast %shift_left3A_62 : i32 to vector<100x256xi32>
    %shift_left3A_64 = arith.shli %convert_element_type3A_61, %shift_left3A_63 : vector<100x256xi32>
    %or3A_65 = arith.ori %convert_element_type3A_58, %shift_left3A_64 : vector<100x256xi32>
    %swap3A_66 = arith.constant 312 : index
    %swap3A_67 = arith.constant 0 : index
    %swap3A_68 = vector.load %arg2[%swap3A_66, %swap3A_67] : memref<2080x256xi32, #tpu.memory_space<vmem>>, vector<100x256xi32>
    tpu.vector_store %arg2[%swap3A_66, %swap3A_67], %or3A_65 {strides = array<i32>} : memref<2080x256xi32, #tpu.memory_space<vmem>>, vector<100x256xi32>,
    %get3A_69 = arith.constant 4 : index
    %get3A_70 = arith.constant 0 : index
    %get3A_71 = arith.constant 0 : index
    %get3A_72 = vector.load %arg1[%get3A_69, %get3A_70, %get3A_71] : memref<20x100x512xf32, #tpu.memory_space<vmem>>, vector<1x100x512xf32>
    %get3A_73 = vector.shape_cast %get3A_72 : vector<1x100x512xf32> to vector<100x512xf32>
    %convert_element_type3A_74 = arith.truncf %get3A_73 : vector<100x512xf32> to vector<100x512xbf16>
    %slice3A_75 = vector.extract_strided_slice %convert_element_type3A_74 {offsets = [0, 0], sizes = [100, 256], strides = [1, 1]} : vector<100x512xbf16> to vector<100x256xbf16>
    %bitcast_convert_type3A_76 = tpu.bitcast %slice3A_75 : vector<100x256xbf16> -> vector<100x256xi16>
    %convert_element_type3A_77 = arith.extui %bitcast_convert_type3A_76 : vector<100x256xi16> to vector<100x256xi32>
    %slice3A_78 = vector.extract_strided_slice %convert_element_type3A_74 {offsets = [0, 256], sizes = [100, 256], strides = [1, 1]} : vector<100x512xbf16> to vector<100x256xbf16>
    %bitcast_convert_type3A_79 = tpu.bitcast %slice3A_78 : vector<100x256xbf16> -> vector<100x256xi16>
    %convert_element_type3A_80 = arith.extui %bitcast_convert_type3A_79 : vector<100x256xi16> to vector<100x256xi32>
    %shift_left3A_81 = arith.constant 16 : i32
    %shift_left3A_82 = vector.broadcast %shift_left3A_81 : i32 to vector<100x256xi32>
    %shift_left3A_83 = arith.shli %convert_element_type3A_80, %shift_left3A_82 : vector<100x256xi32>
    %or3A_84 = arith.ori %convert_element_type3A_77, %shift_left3A_83 : vector<100x256xi32>
    %swap3A_85 = arith.constant 416 : index
    %swap3A_86 = arith.constant 0 : index
    %swap3A_87 = vector.load %arg2[%swap3A_85, %swap3A_86] : memref<2080x256xi32, #tpu.memory_space<vmem>>, vector<100x256xi32>
    tpu.vector_store %arg2[%swap3A_85, %swap3A_86], %or3A_84 {strides = array<i32>} : memref<2080x256xi32, #tpu.memory_space<vmem>>, vector<100x256xi32>,
    %get3A_88 = arith.constant 5 : index
    %get3A_89 = arith.constant 0 : index
    %get3A_90 = arith.constant 0 : index
    %get3A_91 = vector.load %arg1[%get3A_88, %get3A_89, %get3A_90] : memref<20x100x512xf32, #tpu.memory_space<vmem>>, vector<1x100x512xf32>
    %get3A_92 = vector.shape_cast %get3A_91 : vector<1x100x512xf32> to vector<100x512xf32>
    %convert_element_type3A_93 = arith.truncf %get3A_92 : vector<100x512xf32> to vector<100x512xbf16>
    %slice3A_94 = vector.extract_strided_slice %convert_element_type3A_93 {offsets = [0, 0], sizes = [100, 256], strides = [1, 1]} : vector<100x512xbf16> to vector<100x256xbf16>
    %bitcast_convert_type3A_95 = tpu.bitcast %slice3A_94 : vector<100x256xbf16> -> vector<100x256xi16>
    %convert_element_type3A_96 = arith.extui %bitcast_convert_type3A_95 : vector<100x256xi16> to vector<100x256xi32>
    %slice3A_97 = vector.extract_strided_slice %convert_element_type3A_93 {offsets = [0, 256], sizes = [100, 256], strides = [1, 1]} : vector<100x512xbf16> to vector<100x256xbf16>
    %bitcast_convert_type3A_98 = tpu.bitcast %slice3A_97 : vector<100x256xbf16> -> vector<100x256xi16>
    %convert_element_type3A_99 = arith.extui %bitcast_convert_type3A_98 : vector<100x256xi16> to vector<100x256xi32>
    %shift_left3A_100 = arith.constant 16 : i32
    %shift_left3A_101 = vector.broadcast %shift_left3A_100 : i32 to vector<100x256xi32>
    %shift_left3A_102 = arith.shli %convert_element_type3A_99, %shift_left3A_101 : vector<100x256xi32>
    %or3A_103 = arith.ori %convert_element_type3A_96, %shift_left3A_102 : vector<100x256xi32>
    %swap3A_104 = arith.constant 520 : index
    %swap3A_105 = arith.constant 0 : index
    %swap3A_106 = vector.load %arg2[%swap3A_104, %swap3A_105] : memref<2080x256xi32, #tpu.memory_space<vmem>>, vector<100x256xi32>
    tpu.vector_store %arg2[%swap3A_104, %swap3A_105], %or3A_103 {strides = array<i32>} : memref<2080x256xi32, #tpu.memory_space<vmem>>, vector<100x256xi32>,
    %get3A_107 = arith.constant 6 : index
    %get3A_108 = arith.constant 0 : index
    %get3A_109 = arith.constant 0 : index
    %get3A_110 = vector.load %arg1[%get3A_107, %get3A_108, %get3A_109] : memref<20x100x512xf32, #tpu.memory_space<vmem>>, vector<1x100x512xf32>
    %get3A_111 = vector.shape_cast %get3A_110 : vector<1x100x512xf32> to vector<100x512xf32>
    %convert_element_type3A_112 = arith.truncf %get3A_111 : vector<100x512xf32> to vector<100x512xbf16>
    %slice3A_113 = vector.extract_strided_slice %convert_element_type3A_112 {offsets = [0, 0], sizes = [100, 256], strides = [1, 1]} : vector<100x512xbf16> to vector<100x256xbf16>
    %bitcast_convert_type3A_114 = tpu.bitcast %slice3A_113 : vector<100x256xbf16> -> vector<100x256xi16>
    %convert_element_type3A_115 = arith.extui %bitcast_convert_type3A_114 : vector<100x256xi16> to vector<100x256xi32>
    %slice3A_116 = vector.extract_strided_slice %convert_element_type3A_112 {offsets = [0, 256], sizes = [100, 256], strides = [1, 1]} : vector<100x512xbf16> to vector<100x256xbf16>
    %bitcast_convert_type3A_117 = tpu.bitcast %slice3A_116 : vector<100x256xbf16> -> vector<100x256xi16>
    %convert_element_type3A_118 = arith.extui %bitcast_convert_type3A_117 : vector<100x256xi16> to vector<100x256xi32>
    %shift_left3A_119 = arith.constant 16 : i32
    %shift_left3A_120 = vector.broadcast %shift_left3A_119 : i32 to vector<100x256xi32>
    %shift_left3A_121 = arith.shli %convert_element_type3A_118, %shift_left3A_120 : vector<100x256xi32>
    %or3A_122 = arith.ori %convert_element_type3A_115, %shift_left3A_121 : vector<100x256xi32>
    %swap3A_123 = arith.constant 624 : index
    %swap3A_124 = arith.constant 0 : index
    %swap3A_125 = vector.load %arg2[%swap3A_123, %swap3A_124] : memref<2080x256xi32, #tpu.memory_space<vmem>>, vector<100x256xi32>
    tpu.vector_store %arg2[%swap3A_123, %swap3A_124], %or3A_122 {strides = array<i32>} : memref<2080x256xi32, #tpu.memory_space<vmem>>, vector<100x256xi32>,
    %get3A_126 = arith.constant 7 : index
    %get3A_127 = arith.constant 0 : index
    %get3A_128 = arith.constant 0 : index
    %get3A_129 = vector.load %arg1[%get3A_126, %get3A_127, %get3A_128] : memref<20x100x512xf32, #tpu.memory_space<vmem>>, vector<1x100x512xf32>
    %get3A_130 = vector.shape_cast %get3A_129 : vector<1x100x512xf32> to vector<100x512xf32>
    %convert_element_type3A_131 = arith.truncf %get3A_130 : vector<100x512xf32> to vector<100x512xbf16>
    %slice3A_132 = vector.extract_strided_slice %convert_element_type3A_131 {offsets = [0, 0], sizes = [100, 256], strides = [1, 1]} : vector<100x512xbf16> to vector<100x256xbf16>
    %bitcast_convert_type3A_133 = tpu.bitcast %slice3A_132 : vector<100x256xbf16> -> vector<100x256xi16>
    %convert_element_type3A_134 = arith.extui %bitcast_convert_type3A_133 : vector<100x256xi16> to vector<100x256xi32>
    %slice3A_135 = vector.extract_strided_slice %convert_element_type3A_131 {offsets = [0, 256], sizes = [100, 256], strides = [1, 1]} : vector<100x512xbf16> to vector<100x256xbf16>
    %bitcast_convert_type3A_136 = tpu.bitcast %slice3A_135 : vector<100x256xbf16> -> vector<100x256xi16>
    %convert_element_type3A_137 = arith.extui %bitcast_convert_type3A_136 : vector<100x256xi16> to vector<100x256xi32>
    %shift_left3A_138 = arith.constant 16 : i32
    %shift_left3A_139 = vector.broadcast %shift_left3A_138 : i32 to vector<100x256xi32>
    %shift_left3A_140 = arith.shli %convert_element_type3A_137, %shift_left3A_139 : vector<100x256xi32>
    %or3A_141 = arith.ori %convert_element_type3A_134, %shift_left3A_140 : vector<100x256xi32>
    %swap3A_142 = arith.constant 728 : index
    %swap3A_143 = arith.constant 0 : index
    %swap3A_144 = vector.load %arg2[%swap3A_142, %swap3A_143] : memref<2080x256xi32, #tpu.memory_space<vmem>>, vector<100x256xi32>
    tpu.vector_store %arg2[%swap3A_142, %swap3A_143], %or3A_141 {strides = array<i32>} : memref<2080x256xi32, #tpu.memory_space<vmem>>, vector<100x256xi32>,
    %get3A_145 = arith.constant 8 : index
    %get3A_146 = arith.constant 0 : index
    %get3A_147 = arith.constant 0 : index
    %get3A_148 = vector.load %arg1[%get3A_145, %get3A_146, %get3A_147] : memref<20x100x512xf32, #tpu.memory_space<vmem>>, vector<1x100x512xf32>
    %get3A_149 = vector.shape_cast %get3A_148 : vector<1x100x512xf32> to vector<100x512xf32>
    %convert_element_type3A_150 = arith.truncf %get3A_149 : vector<100x512xf32> to vector<100x512xbf16>
    %slice3A_151 = vector.extract_strided_slice %convert_element_type3A_150 {offsets = [0, 0], sizes = [100, 256], strides = [1, 1]} : vector<100x512xbf16> to vector<100x256xbf16>
    %bitcast_convert_type3A_152 = tpu.bitcast %slice3A_151 : vector<100x256xbf16> -> vector<100x256xi16>
    %convert_element_type3A_153 = arith.extui %bitcast_convert_type3A_152 : vector<100x256xi16> to vector<100x256xi32>
    %slice3A_154 = vector.extract_strided_slice %convert_element_type3A_150 {offsets = [0, 256], sizes = [100, 256], strides = [1, 1]} : vector<100x512xbf16> to vector<100x256xbf16>
    %bitcast_convert_type3A_155 = tpu.bitcast %slice3A_154 : vector<100x256xbf16> -> vector<100x256xi16>
    %convert_element_type3A_156 = arith.extui %bitcast_convert_type3A_155 : vector<100x256xi16> to vector<100x256xi32>
    %shift_left3A_157 = arith.constant 16 : i32
    %shift_left3A_158 = vector.broadcast %shift_left3A_157 : i32 to vector<100x256xi32>
    %shift_left3A_159 = arith.shli %convert_element_type3A_156, %shift_left3A_158 : vector<100x256xi32>
    %or3A_160 = arith.ori %convert_element_type3A_153, %shift_left3A_159 : vector<100x256xi32>
    %swap3A_161 = arith.constant 832 : index
    %swap3A_162 = arith.constant 0 : index
    %swap3A_163 = vector.load %arg2[%swap3A_161, %swap3A_162] : memref<2080x256xi32, #tpu.memory_space<vmem>>, vector<100x256xi32>
    tpu.vector_store %arg2[%swap3A_161, %swap3A_162], %or3A_160 {strides = array<i32>} : memref<2080x256xi32, #tpu.memory_space<vmem>>, vector<100x256xi32>,
    %get3A_164 = arith.constant 9 : index
    %get3A_165 = arith.constant 0 : index
    %get3A_166 = arith.constant 0 : index
    %get3A_167 = vector.load %arg1[%get3A_164, %get3A_165, %get3A_166] : memref<20x100x512xf32, #tpu.memory_space<vmem>>, vector<1x100x512xf32>
    %get3A_168 = vector.shape_cast %get3A_167 : vector<1x100x512xf32> to vector<100x512xf32>
    %convert_element_type3A_169 = arith.truncf %get3A_168 : vector<100x512xf32> to vector<100x512xbf16>
    %slice3A_170 = vector.extract_strided_slice %convert_element_type3A_169 {offsets = [0, 0], sizes = [100, 256], strides = [1, 1]} : vector<100x512xbf16> to vector<100x256xbf16>
    %bitcast_convert_type3A_171 = tpu.bitcast %slice3A_170 : vector<100x256xbf16> -> vector<100x256xi16>
    %convert_element_type3A_172 = arith.extui %bitcast_convert_type3A_171 : vector<100x256xi16> to vector<100x256xi32>
    %slice3A_173 = vector.extract_strided_slice %convert_element_type3A_169 {offsets = [0, 256], sizes = [100, 256], strides = [1, 1]} : vector<100x512xbf16> to vector<100x256xbf16>
    %bitcast_convert_type3A_174 = tpu.bitcast %slice3A_173 : vector<100x256xbf16> -> vector<100x256xi16>
    %convert_element_type3A_175 = arith.extui %bitcast_convert_type3A_174 : vector<100x256xi16> to vector<100x256xi32>
    %shift_left3A_176 = arith.constant 16 : i32
    %shift_left3A_177 = vector.broadcast %shift_left3A_176 : i32 to vector<100x256xi32>
    %shift_left3A_178 = arith.shli %convert_element_type3A_175, %shift_left3A_177 : vector<100x256xi32>
    %or3A_179 = arith.ori %convert_element_type3A_172, %shift_left3A_178 : vector<100x256xi32>
    %swap3A_180 = arith.constant 936 : index
    %swap3A_181 = arith.constant 0 : index
    %swap3A_182 = vector.load %arg2[%swap3A_180, %swap3A_181] : memref<2080x256xi32, #tpu.memory_space<vmem>>, vector<100x256xi32>
    tpu.vector_store %arg2[%swap3A_180, %swap3A_181], %or3A_179 {strides = array<i32>} : memref<2080x256xi32, #tpu.memory_space<vmem>>, vector<100x256xi32>,
    %get3A_183 = arith.constant 10 : index
    %get3A_184 = arith.constant 0 : index
    %get3A_185 = arith.constant 0 : index
    %get3A_186 = vector.load %arg1[%get3A_183, %get3A_184, %get3A_185] : memref<20x100x512xf32, #tpu.memory_space<vmem>>, vector<1x100x512xf32>
    %get3A_187 = vector.shape_cast %get3A_186 : vector<1x100x512xf32> to vector<100x512xf32>
    %convert_element_type3A_188 = arith.truncf %get3A_187 : vector<100x512xf32> to vector<100x512xbf16>
    %slice3A_189 = vector.extract_strided_slice %convert_element_type3A_188 {offsets = [0, 0], sizes = [100, 256], strides = [1, 1]} : vector<100x512xbf16> to vector<100x256xbf16>
    %bitcast_convert_type3A_190 = tpu.bitcast %slice3A_189 : vector<100x256xbf16> -> vector<100x256xi16>
    %convert_element_type3A_191 = arith.extui %bitcast_convert_type3A_190 : vector<100x256xi16> to vector<100x256xi32>
    %slice3A_192 = vector.extract_strided_slice %convert_element_type3A_188 {offsets = [0, 256], sizes = [100, 256], strides = [1, 1]} : vector<100x512xbf16> to vector<100x256xbf16>
    %bitcast_convert_type3A_193 = tpu.bitcast %slice3A_192 : vector<100x256xbf16> -> vector<100x256xi16>
    %convert_element_type3A_194 = arith.extui %bitcast_convert_type3A_193 : vector<100x256xi16> to vector<100x256xi32>
    %shift_left3A_195 = arith.constant 16 : i32
    %shift_left3A_196 = vector.broadcast %shift_left3A_195 : i32 to vector<100x256xi32>
    %shift_left3A_197 = arith.shli %convert_element_type3A_194, %shift_left3A_196 : vector<100x256xi32>
    %or3A_198 = arith.ori %convert_element_type3A_191, %shift_left3A_197 : vector<100x256xi32>
    %swap3A_199 = arith.constant 1040 : index
    %swap3A_200 = arith.constant 0 : index
    %swap3A_201 = vector.load %arg2[%swap3A_199, %swap3A_200] : memref<2080x256xi32, #tpu.memory_space<vmem>>, vector<100x256xi32>
    tpu.vector_store %arg2[%swap3A_199, %swap3A_200], %or3A_198 {strides = array<i32>} : memref<2080x256xi32, #tpu.memory_space<vmem>>, vector<100x256xi32>,
    %get3A_202 = arith.constant 11 : index
    %get3A_203 = arith.constant 0 : index
    %get3A_204 = arith.constant 0 : index
    %get3A_205 = vector.load %arg1[%get3A_202, %get3A_203, %get3A_204] : memref<20x100x512xf32, #tpu.memory_space<vmem>>, vector<1x100x512xf32>
    %get3A_206 = vector.shape_cast %get3A_205 : vector<1x100x512xf32> to vector<100x512xf32>
    %convert_element_type3A_207 = arith.truncf %get3A_206 : vector<100x512xf32> to vector<100x512xbf16>
    %slice3A_208 = vector.extract_strided_slice %convert_element_type3A_207 {offsets = [0, 0], sizes = [100, 256], strides = [1, 1]} : vector<100x512xbf16> to vector<100x256xbf16>
    %bitcast_convert_type3A_209 = tpu.bitcast %slice3A_208 : vector<100x256xbf16> -> vector<100x256xi16>
    %convert_element_type3A_210 = arith.extui %bitcast_convert_type3A_209 : vector<100x256xi16> to vector<100x256xi32>
    %slice3A_211 = vector.extract_strided_slice %convert_element_type3A_207 {offsets = [0, 256], sizes = [100, 256], strides = [1, 1]} : vector<100x512xbf16> to vector<100x256xbf16>
    %bitcast_convert_type3A_212 = tpu.bitcast %slice3A_211 : vector<100x256xbf16> -> vector<100x256xi16>
    %convert_element_type3A_213 = arith.extui %bitcast_convert_type3A_212 : vector<100x256xi16> to vector<100x256xi32>
    %shift_left3A_214 = arith.constant 16 : i32
    %shift_left3A_215 = vector.broadcast %shift_left3A_214 : i32 to vector<100x256xi32>
    %shift_left3A_216 = arith.shli %convert_element_type3A_213, %shift_left3A_215 : vector<100x256xi32>
    %or3A_217 = arith.ori %convert_element_type3A_210, %shift_left3A_216 : vector<100x256xi32>
    %swap3A_218 = arith.constant 1144 : index
    %swap3A_219 = arith.constant 0 : index
    %swap3A_220 = vector.load %arg2[%swap3A_218, %swap3A_219] : memref<2080x256xi32, #tpu.memory_space<vmem>>, vector<100x256xi32>
    tpu.vector_store %arg2[%swap3A_218, %swap3A_219], %or3A_217 {strides = array<i32>} : memref<2080x256xi32, #tpu.memory_space<vmem>>, vector<100x256xi32>,
    %get3A_221 = arith.constant 12 : index
    %get3A_222 = arith.constant 0 : index
    %get3A_223 = arith.constant 0 : index
    %get3A_224 = vector.load %arg1[%get3A_221, %get3A_222, %get3A_223] : memref<20x100x512xf32, #tpu.memory_space<vmem>>, vector<1x100x512xf32>
    %get3A_225 = vector.shape_cast %get3A_224 : vector<1x100x512xf32> to vector<100x512xf32>
    %convert_element_type3A_226 = arith.truncf %get3A_225 : vector<100x512xf32> to vector<100x512xbf16>
    %slice3A_227 = vector.extract_strided_slice %convert_element_type3A_226 {offsets = [0, 0], sizes = [100, 256], strides = [1, 1]} : vector<100x512xbf16> to vector<100x256xbf16>
    %bitcast_convert_type3A_228 = tpu.bitcast %slice3A_227 : vector<100x256xbf16> -> vector<100x256xi16>
    %convert_element_type3A_229 = arith.extui %bitcast_convert_type3A_228 : vector<100x256xi16> to vector<100x256xi32>
    %slice3A_230 = vector.extract_strided_slice %convert_element_type3A_226 {offsets = [0, 256], sizes = [100, 256], strides = [1, 1]} : vector<100x512xbf16> to vector<100x256xbf16>
    %bitcast_convert_type3A_231 = tpu.bitcast %slice3A_230 : vector<100x256xbf16> -> vector<100x256xi16>
    %convert_element_type3A_232 = arith.extui %bitcast_convert_type3A_231 : vector<100x256xi16> to vector<100x256xi32>
    %shift_left3A_233 = arith.constant 16 : i32
    %shift_left3A_234 = vector.broadcast %shift_left3A_233 : i32 to vector<100x256xi32>
    %shift_left3A_235 = arith.shli %convert_element_type3A_232, %shift_left3A_234 : vector<100x256xi32>
    %or3A_236 = arith.ori %convert_element_type3A_229, %shift_left3A_235 : vector<100x256xi32>
    %swap3A_237 = arith.constant 1248 : index
    %swap3A_238 = arith.constant 0 : index
    %swap3A_239 = vector.load %arg2[%swap3A_237, %swap3A_238] : memref<2080x256xi32, #tpu.memory_space<vmem>>, vector<100x256xi32>
    tpu.vector_store %arg2[%swap3A_237, %swap3A_238], %or3A_236 {strides = array<i32>} : memref<2080x256xi32, #tpu.memory_space<vmem>>, vector<100x256xi32>,
    %get3A_240 = arith.constant 13 : index
    %get3A_241 = arith.constant 0 : index
    %get3A_242 = arith.constant 0 : index
    %get3A_243 = vector.load %arg1[%get3A_240, %get3A_241, %get3A_242] : memref<20x100x512xf32, #tpu.memory_space<vmem>>, vector<1x100x512xf32>
    %get3A_244 = vector.shape_cast %get3A_243 : vector<1x100x512xf32> to vector<100x512xf32>
    %convert_element_type3A_245 = arith.truncf %get3A_244 : vector<100x512xf32> to vector<100x512xbf16>
    %slice3A_246 = vector.extract_strided_slice %convert_element_type3A_245 {offsets = [0, 0], sizes = [100, 256], strides = [1, 1]} : vector<100x512xbf16> to vector<100x256xbf16>
    %bitcast_convert_type3A_247 = tpu.bitcast %slice3A_246 : vector<100x256xbf16> -> vector<100x256xi16>
    %convert_element_type3A_248 = arith.extui %bitcast_convert_type3A_247 : vector<100x256xi16> to vector<100x256xi32>
    %slice3A_249 = vector.extract_strided_slice %convert_element_type3A_245 {offsets = [0, 256], sizes = [100, 256], strides = [1, 1]} : vector<100x512xbf16> to vector<100x256xbf16>
    %bitcast_convert_type3A_250 = tpu.bitcast %slice3A_249 : vector<100x256xbf16> -> vector<100x256xi16>
    %convert_element_type3A_251 = arith.extui %bitcast_convert_type3A_250 : vector<100x256xi16> to vector<100x256xi32>
    %shift_left3A_252 = arith.constant 16 : i32
    %shift_left3A_253 = vector.broadcast %shift_left3A_252 : i32 to vector<100x256xi32>
    %shift_left3A_254 = arith.shli %convert_element_type3A_251, %shift_left3A_253 : vector<100x256xi32>
    %or3A_255 = arith.ori %convert_element_type3A_248, %shift_left3A_254 : vector<100x256xi32>
    %swap3A_256 = arith.constant 1352 : index
    %swap3A_257 = arith.constant 0 : index
    %swap3A_258 = vector.load %arg2[%swap3A_256, %swap3A_257] : memref<2080x256xi32, #tpu.memory_space<vmem>>, vector<100x256xi32>
    tpu.vector_store %arg2[%swap3A_256, %swap3A_257], %or3A_255 {strides = array<i32>} : memref<2080x256xi32, #tpu.memory_space<vmem>>, vector<100x256xi32>,
    %get3A_259 = arith.constant 14 : index
    %get3A_260 = arith.constant 0 : index
    %get3A_261 = arith.constant 0 : index
    %get3A_262 = vector.load %arg1[%get3A_259, %get3A_260, %get3A_261] : memref<20x100x512xf32, #tpu.memory_space<vmem>>, vector<1x100x512xf32>
    %get3A_263 = vector.shape_cast %get3A_262 : vector<1x100x512xf32> to vector<100x512xf32>
    %convert_element_type3A_264 = arith.truncf %get3A_263 : vector<100x512xf32> to vector<100x512xbf16>
    %slice3A_265 = vector.extract_strided_slice %convert_element_type3A_264 {offsets = [0, 0], sizes = [100, 256], strides = [1, 1]} : vector<100x512xbf16> to vector<100x256xbf16>
    %bitcast_convert_type3A_266 = tpu.bitcast %slice3A_265 : vector<100x256xbf16> -> vector<100x256xi16>
    %convert_element_type3A_267 = arith.extui %bitcast_convert_type3A_266 : vector<100x256xi16> to vector<100x256xi32>
    %slice3A_268 = vector.extract_strided_slice %convert_element_type3A_264 {offsets = [0, 256], sizes = [100, 256], strides = [1, 1]} : vector<100x512xbf16> to vector<100x256xbf16>
    %bitcast_convert_type3A_269 = tpu.bitcast %slice3A_268 : vector<100x256xbf16> -> vector<100x256xi16>
    %convert_element_type3A_270 = arith.extui %bitcast_convert_type3A_269 : vector<100x256xi16> to vector<100x256xi32>
    %shift_left3A_271 = arith.constant 16 : i32
    %shift_left3A_272 = vector.broadcast %shift_left3A_271 : i32 to vector<100x256xi32>
    %shift_left3A_273 = arith.shli %convert_element_type3A_270, %shift_left3A_272 : vector<100x256xi32>
    %or3A_274 = arith.ori %convert_element_type3A_267, %shift_left3A_273 : vector<100x256xi32>
    %swap3A_275 = arith.constant 1456 : index
    %swap3A_276 = arith.constant 0 : index
    %swap3A_277 = vector.load %arg2[%swap3A_275, %swap3A_276] : memref<2080x256xi32, #tpu.memory_space<vmem>>, vector<100x256xi32>
    tpu.vector_store %arg2[%swap3A_275, %swap3A_276], %or3A_274 {strides = array<i32>} : memref<2080x256xi32, #tpu.memory_space<vmem>>, vector<100x256xi32>,
    %get3A_278 = arith.constant 15 : index
    %get3A_279 = arith.constant 0 : index
    %get3A_280 = arith.constant 0 : index
    %get3A_281 = vector.load %arg1[%get3A_278, %get3A_279, %get3A_280] : memref<20x100x512xf32, #tpu.memory_space<vmem>>, vector<1x100x512xf32>
    %get3A_282 = vector.shape_cast %get3A_281 : vector<1x100x512xf32> to vector<100x512xf32>
    %convert_element_type3A_283 = arith.truncf %get3A_282 : vector<100x512xf32> to vector<100x512xbf16>
    %slice3A_284 = vector.extract_strided_slice %convert_element_type3A_283 {offsets = [0, 0], sizes = [100, 256], strides = [1, 1]} : vector<100x512xbf16> to vector<100x256xbf16>
    %bitcast_convert_type3A_285 = tpu.bitcast %slice3A_284 : vector<100x256xbf16> -> vector<100x256xi16>
    %convert_element_type3A_286 = arith.extui %bitcast_convert_type3A_285 : vector<100x256xi16> to vector<100x256xi32>
    %slice3A_287 = vector.extract_strided_slice %convert_element_type3A_283 {offsets = [0, 256], sizes = [100, 256], strides = [1, 1]} : vector<100x512xbf16> to vector<100x256xbf16>
    %bitcast_convert_type3A_288 = tpu.bitcast %slice3A_287 : vector<100x256xbf16> -> vector<100x256xi16>
    %convert_element_type3A_289 = arith.extui %bitcast_convert_type3A_288 : vector<100x256xi16> to vector<100x256xi32>
    %shift_left3A_290 = arith.constant 16 : i32
    %shift_left3A_291 = vector.broadcast %shift_left3A_290 : i32 to vector<100x256xi32>
    %shift_left3A_292 = arith.shli %convert_element_type3A_289, %shift_left3A_291 : vector<100x256xi32>
    %or3A_293 = arith.ori %convert_element_type3A_286, %shift_left3A_292 : vector<100x256xi32>
    %swap3A_294 = arith.constant 1560 : index
    %swap3A_295 = arith.constant 0 : index
    %swap3A_296 = vector.load %arg2[%swap3A_294, %swap3A_295] : memref<2080x256xi32, #tpu.memory_space<vmem>>, vector<100x256xi32>
    tpu.vector_store %arg2[%swap3A_294, %swap3A_295], %or3A_293 {strides = array<i32>} : memref<2080x256xi32, #tpu.memory_space<vmem>>, vector<100x256xi32>,
    %get3A_297 = arith.constant 16 : index
    %get3A_298 = arith.constant 0 : index
    %get3A_299 = arith.constant 0 : index
    %get3A_300 = vector.load %arg1[%get3A_297, %get3A_298, %get3A_299] : memref<20x100x512xf32, #tpu.memory_space<vmem>>, vector<1x100x512xf32>
    %get3A_301 = vector.shape_cast %get3A_300 : vector<1x100x512xf32> to vector<100x512xf32>
    %convert_element_type3A_302 = arith.truncf %get3A_301 : vector<100x512xf32> to vector<100x512xbf16>
    %slice3A_303 = vector.extract_strided_slice %convert_element_type3A_302 {offsets = [0, 0], sizes = [100, 256], strides = [1, 1]} : vector<100x512xbf16> to vector<100x256xbf16>
    %bitcast_convert_type3A_304 = tpu.bitcast %slice3A_303 : vector<100x256xbf16> -> vector<100x256xi16>
    %convert_element_type3A_305 = arith.extui %bitcast_convert_type3A_304 : vector<100x256xi16> to vector<100x256xi32>
    %slice3A_306 = vector.extract_strided_slice %convert_element_type3A_302 {offsets = [0, 256], sizes = [100, 256], strides = [1, 1]} : vector<100x512xbf16> to vector<100x256xbf16>
    %bitcast_convert_type3A_307 = tpu.bitcast %slice3A_306 : vector<100x256xbf16> -> vector<100x256xi16>
    %convert_element_type3A_308 = arith.extui %bitcast_convert_type3A_307 : vector<100x256xi16> to vector<100x256xi32>
    %shift_left3A_309 = arith.constant 16 : i32
    %shift_left3A_310 = vector.broadcast %shift_left3A_309 : i32 to vector<100x256xi32>
    %shift_left3A_311 = arith.shli %convert_element_type3A_308, %shift_left3A_310 : vector<100x256xi32>
    %or3A_312 = arith.ori %convert_element_type3A_305, %shift_left3A_311 : vector<100x256xi32>
    %swap3A_313 = arith.constant 1664 : index
    %swap3A_314 = arith.constant 0 : index
    %swap3A_315 = vector.load %arg2[%swap3A_313, %swap3A_314] : memref<2080x256xi32, #tpu.memory_space<vmem>>, vector<100x256xi32>
    tpu.vector_store %arg2[%swap3A_313, %swap3A_314], %or3A_312 {strides = array<i32>} : memref<2080x256xi32, #tpu.memory_space<vmem>>, vector<100x256xi32>,
    %get3A_316 = arith.constant 17 : index
    %get3A_317 = arith.constant 0 : index
    %get3A_318 = arith.constant 0 : index
    %get3A_319 = vector.load %arg1[%get3A_316, %get3A_317, %get3A_318] : memref<20x100x512xf32, #tpu.memory_space<vmem>>, vector<1x100x512xf32>
    %get3A_320 = vector.shape_cast %get3A_319 : vector<1x100x512xf32> to vector<100x512xf32>
    %convert_element_type3A_321 = arith.truncf %get3A_320 : vector<100x512xf32> to vector<100x512xbf16>
    %slice3A_322 = vector.extract_strided_slice %convert_element_type3A_321 {offsets = [0, 0], sizes = [100, 256], strides = [1, 1]} : vector<100x512xbf16> to vector<100x256xbf16>
    %bitcast_convert_type3A_323 = tpu.bitcast %slice3A_322 : vector<100x256xbf16> -> vector<100x256xi16>
    %convert_element_type3A_324 = arith.extui %bitcast_convert_type3A_323 : vector<100x256xi16> to vector<100x256xi32>
    %slice3A_325 = vector.extract_strided_slice %convert_element_type3A_321 {offsets = [0, 256], sizes = [100, 256], strides = [1, 1]} : vector<100x512xbf16> to vector<100x256xbf16>
    %bitcast_convert_type3A_326 = tpu.bitcast %slice3A_325 : vector<100x256xbf16> -> vector<100x256xi16>
    %convert_element_type3A_327 = arith.extui %bitcast_convert_type3A_326 : vector<100x256xi16> to vector<100x256xi32>
    %shift_left3A_328 = arith.constant 16 : i32
    %shift_left3A_329 = vector.broadcast %shift_left3A_328 : i32 to vector<100x256xi32>
    %shift_left3A_330 = arith.shli %convert_element_type3A_327, %shift_left3A_329 : vector<100x256xi32>
    %or3A_331 = arith.ori %convert_element_type3A_324, %shift_left3A_330 : vector<100x256xi32>
    %swap3A_332 = arith.constant 1768 : index
    %swap3A_333 = arith.constant 0 : index
    %swap3A_334 = vector.load %arg2[%swap3A_332, %swap3A_333] : memref<2080x256xi32, #tpu.memory_space<vmem>>, vector<100x256xi32>
    tpu.vector_store %arg2[%swap3A_332, %swap3A_333], %or3A_331 {strides = array<i32>} : memref<2080x256xi32, #tpu.memory_space<vmem>>, vector<100x256xi32>,
    %get3A_335 = arith.constant 18 : index
    %get3A_336 = arith.constant 0 : index
    %get3A_337 = arith.constant 0 : index
    %get3A_338 = vector.load %arg1[%get3A_335, %get3A_336, %get3A_337] : memref<20x100x512xf32, #tpu.memory_space<vmem>>, vector<1x100x512xf32>
    %get3A_339 = vector.shape_cast %get3A_338 : vector<1x100x512xf32> to vector<100x512xf32>
    %convert_element_type3A_340 = arith.truncf %get3A_339 : vector<100x512xf32> to vector<100x512xbf16>
    %slice3A_341 = vector.extract_strided_slice %convert_element_type3A_340 {offsets = [0, 0], sizes = [100, 256], strides = [1, 1]} : vector<100x512xbf16> to vector<100x256xbf16>
    %bitcast_convert_type3A_342 = tpu.bitcast %slice3A_341 : vector<100x256xbf16> -> vector<100x256xi16>
    %convert_element_type3A_343 = arith.extui %bitcast_convert_type3A_342 : vector<100x256xi16> to vector<100x256xi32>
    %slice3A_344 = vector.extract_strided_slice %convert_element_type3A_340 {offsets = [0, 256], sizes = [100, 256], strides = [1, 1]} : vector<100x512xbf16> to vector<100x256xbf16>
    %bitcast_convert_type3A_345 = tpu.bitcast %slice3A_344 : vector<100x256xbf16> -> vector<100x256xi16>
    %convert_element_type3A_346 = arith.extui %bitcast_convert_type3A_345 : vector<100x256xi16> to vector<100x256xi32>
    %shift_left3A_347 = arith.constant 16 : i32
    %shift_left3A_348 = vector.broadcast %shift_left3A_347 : i32 to vector<100x256xi32>
    %shift_left3A_349 = arith.shli %convert_element_type3A_346, %shift_left3A_348 : vector<100x256xi32>
    %or3A_350 = arith.ori %convert_element_type3A_343, %shift_left3A_349 : vector<100x256xi32>
    %swap3A_351 = arith.constant 1872 : index
    %swap3A_352 = arith.constant 0 : index
    %swap3A_353 = vector.load %arg2[%swap3A_351, %swap3A_352] : memref<2080x256xi32, #tpu.memory_space<vmem>>, vector<100x256xi32>
    tpu.vector_store %arg2[%swap3A_351, %swap3A_352], %or3A_350 {strides = array<i32>} : memref<2080x256xi32, #tpu.memory_space<vmem>>, vector<100x256xi32>,
    %get3A_354 = arith.constant 19 : index
    %get3A_355 = arith.constant 0 : index
    %get3A_356 = arith.constant 0 : index
    %get3A_357 = vector.load %arg1[%get3A_354, %get3A_355, %get3A_356] : memref<20x100x512xf32, #tpu.memory_space<vmem>>, vector<1x100x512xf32>
    %get3A_358 = vector.shape_cast %get3A_357 : vector<1x100x512xf32> to vector<100x512xf32>
    %convert_element_type3A_359 = arith.truncf %get3A_358 : vector<100x512xf32> to vector<100x512xbf16>
    %slice3A_360 = vector.extract_strided_slice %convert_element_type3A_359 {offsets = [0, 0], sizes = [100, 256], strides = [1, 1]} : vector<100x512xbf16> to vector<100x256xbf16>
    %bitcast_convert_type3A_361 = tpu.bitcast %slice3A_360 : vector<100x256xbf16> -> vector<100x256xi16>
    %convert_element_type3A_362 = arith.extui %bitcast_convert_type3A_361 : vector<100x256xi16> to vector<100x256xi32>
    %slice3A_363 = vector.extract_strided_slice %convert_element_type3A_359 {offsets = [0, 256], sizes = [100, 256], strides = [1, 1]} : vector<100x512xbf16> to vector<100x256xbf16>
    %bitcast_convert_type3A_364 = tpu.bitcast %slice3A_363 : vector<100x256xbf16> -> vector<100x256xi16>
    %convert_element_type3A_365 = arith.extui %bitcast_convert_type3A_364 : vector<100x256xi16> to vector<100x256xi32>
    %shift_left3A_366 = arith.constant 16 : i32
    %shift_left3A_367 = vector.broadcast %shift_left3A_366 : i32 to vector<100x256xi32>
    %shift_left3A_368 = arith.shli %convert_element_type3A_365, %shift_left3A_367 : vector<100x256xi32>
    %or3A_369 = arith.ori %convert_element_type3A_362, %shift_left3A_368 : vector<100x256xi32>
    %swap3A_370 = arith.constant 1976 : index
    %swap3A_371 = arith.constant 0 : index
    %swap3A_372 = vector.load %arg2[%swap3A_370, %swap3A_371] : memref<2080x256xi32, #tpu.memory_space<vmem>>, vector<100x256xi32>
    tpu.vector_store %arg2[%swap3A_370, %swap3A_371], %or3A_369 {strides = array<i32>} : memref<2080x256xi32, #tpu.memory_space<vmem>>, vector<100x256xi32>,
    return
  }
  func.func @transform_0(%arg0: i32) -> (i32, i32, i32) {
    %c0_i32 = arith.constant 0 : i32
    %c0_i32_0 = arith.constant 0 : i32
    %c0_i32_1 = arith.constant 0 : i32
    return %arg0, %c0_i32, %c0_i32_0 : i32, i32, i32
  }
  func.func @transform_1(%arg0: i32) -> (i32, i32) {
    %c0_i32 = arith.constant 0 : i32
    %c0_i32_0 = arith.constant 0 : i32
    return %arg0, %c0_i32 : i32, i32
  }
}

module attributes {stable_mosaic.version = 14 : i64} {
  func.func @body(%arg0: i32, %arg1: memref<1024x1024xf32, #tpu.memory_space<vmem>>, %arg2: memref<1024x256xi32, #tpu.memory_space<vmem>>, %arg3: memref<1x512xf32, #tpu.memory_space<vmem>>, %arg4: memref<1024x1024xf32, #tpu.memory_space<vmem>>) attributes {dimension_semantics = [#tpu.dimension_semantics<arbitrary>], iteration_bounds = array<i64: 4>, scalar_prefetch = 0 : i64, scratch_operands = 0 : i64, tpu.core_type = #tpu.core_type<tc>, window_params = [{transform_indices = @transform_0, window_bounds = array<i64: 1024, 1024>}, {transform_indices = @transform_1, window_bounds = array<i64: 1024, 256>}, {pipeline_mode = #tpu.pipeline_mode<synchronous>, transform_indices = @transform_2, window_bounds = array<i64: 1, 512>}, {transform_indices = @transform_3, window_bounds = array<i64: 1024, 1024>}]} {
    %get3A = arith.constant 0 : index
    %get3A_0 = arith.constant 0 : index
    %get3A_1 = vector.load %arg2[%get3A, %get3A_0] : memref<1024x256xi32, #tpu.memory_space<vmem>>, vector<1024x256xi32>
    %shift_left3A = arith.constant 16 : i32
    %shift_left3A_2 = vector.broadcast %shift_left3A : i32 to vector<1024x256xi32>
    %shift_left3A_3 = arith.shli %get3A_1, %shift_left3A_2 : vector<1024x256xi32>
    %bitcast_convert_type3A = tpu.bitcast %shift_left3A_3 : vector<1024x256xi32> -> vector<1024x256xf32>
    %and3A = arith.constant -65536 : i32
    %and3A_4 = vector.broadcast %and3A : i32 to vector<1024x256xi32>
    %and3A_5 = arith.andi %get3A_1, %and3A_4 : vector<1024x256xi32>
    %bitcast_convert_type3A_6 = tpu.bitcast %and3A_5 : vector<1024x256xi32> -> vector<1024x256xf32>
    %get3A_7 = arith.constant 0 : index
    %get3A_8 = arith.constant 0 : index
    %get3A_9 = vector.load %arg1[%get3A_7, %get3A_8] : memref<1024x1024xf32, #tpu.memory_space<vmem>>, vector<1024x256xf32>
    %add3A = arith.addf %get3A_9, %bitcast_convert_type3A : vector<1024x256xf32>
    %swap3A = arith.constant 0 : index
    %swap3A_10 = arith.constant 0 : index
    %swap3A_11 = vector.load %arg4[%swap3A, %swap3A_10] : memref<1024x1024xf32, #tpu.memory_space<vmem>>, vector<1024x256xf32>
    tpu.vector_store %arg4[%swap3A, %swap3A_10], %add3A {strides = array<i32>} : memref<1024x1024xf32, #tpu.memory_space<vmem>>, vector<1024x256xf32>,
    %get3A_12 = arith.constant 0 : index
    %get3A_13 = arith.constant 256 : index
    %get3A_14 = vector.load %arg1[%get3A_12, %get3A_13] : memref<1024x1024xf32, #tpu.memory_space<vmem>>, vector<1024x256xf32>
    %add3A_15 = arith.addf %get3A_14, %bitcast_convert_type3A_6 : vector<1024x256xf32>
    %swap3A_16 = arith.constant 0 : index
    %swap3A_17 = arith.constant 256 : index
    %swap3A_18 = vector.load %arg4[%swap3A_16, %swap3A_17] : memref<1024x1024xf32, #tpu.memory_space<vmem>>, vector<1024x256xf32>
    tpu.vector_store %arg4[%swap3A_16, %swap3A_17], %add3A_15 {strides = array<i32>} : memref<1024x1024xf32, #tpu.memory_space<vmem>>, vector<1024x256xf32>,
    %get3A_19 = arith.constant 0 : index
    %get3A_20 = arith.constant 512 : index
    %get3A_21 = vector.load %arg1[%get3A_19, %get3A_20] : memref<1024x1024xf32, #tpu.memory_space<vmem>>, vector<1024x512xf32>
    %get3A_22 = arith.constant 0 : index
    %get3A_23 = arith.constant 0 : index
    %get3A_24 = vector.load %arg3[%get3A_22, %get3A_23] : memref<1x512xf32, #tpu.memory_space<vmem>>, vector<1x512xf32>
    %add3A_25 = vector.broadcast %get3A_24 : vector<1x512xf32> to vector<1024x512xf32>
    %add3A_26 = arith.addf %get3A_21, %add3A_25 : vector<1024x512xf32>
    %swap3A_27 = arith.constant 0 : index
    %swap3A_28 = arith.constant 512 : index
    %swap3A_29 = vector.load %arg4[%swap3A_27, %swap3A_28] : memref<1024x1024xf32, #tpu.memory_space<vmem>>, vector<1024x512xf32>
    tpu.vector_store %arg4[%swap3A_27, %swap3A_28], %add3A_26 {strides = array<i32>} : memref<1024x1024xf32, #tpu.memory_space<vmem>>, vector<1024x512xf32>,
    return
  }
  func.func @transform_0(%arg0: i32) -> (i32, i32) {
    %add3A = arith.constant 0 : i32
    %add3A_0 = arith.addi %arg0, %add3A : i32
    %c0_i32 = arith.constant 0 : i32
    %c0_i32_1 = arith.constant 0 : i32
    return %add3A_0, %c0_i32 : i32, i32
  }
  func.func @transform_1(%arg0: i32) -> (i32, i32) {
    %c0_i32 = arith.constant 0 : i32
    %c0_i32_0 = arith.constant 0 : i32
    return %arg0, %c0_i32 : i32, i32
  }
  func.func @transform_2(%arg0: i32) -> (i32, i32) {
    %c0_i32 = arith.constant 0 : i32
    %c0_i32_0 = arith.constant 0 : i32
    %c0_i32_1 = arith.constant 0 : i32
    return %c0_i32, %c0_i32_0 : i32, i32
  }
  func.func @transform_3(%arg0: i32) -> (i32, i32) {
    %add3A = arith.constant 0 : i32
    %add3A_0 = arith.addi %arg0, %add3A : i32
    %c0_i32 = arith.constant 0 : i32
    %c0_i32_1 = arith.constant 0 : i32
    return %add3A_0, %c0_i32 : i32, i32
  }
}

module attributes {stable_mosaic.version = 14 : i64} {
  func.func @body(%arg0: i32, %arg1: memref<16384x1024xf32, #tpu.memory_space<any>>, %arg2: memref<1024x1024xf32, #tpu.memory_space<vmem>>, %arg3: memref<1024x256xi32, #tpu.memory_space<vmem>>, %arg4: memref<1x512xf32, #tpu.memory_space<vmem>>, %arg5: memref<1024x1024xf32, #tpu.memory_space<vmem>>) attributes {dimension_semantics = [#tpu.dimension_semantics<arbitrary>], iteration_bounds = array<i64: 8>, scalar_prefetch = 0 : i64, scratch_operands = 0 : i64, tpu.core_type = #tpu.core_type<tc>, window_params = [{}, {transform_indices = @transform_1, window_bounds = array<i64: 1024, 1024>}, {transform_indices = @transform_2, window_bounds = array<i64: 1024, 256>}, {pipeline_mode = #tpu.pipeline_mode<synchronous>, transform_indices = @transform_3, window_bounds = array<i64: 1, 512>}, {transform_indices = @transform_4, window_bounds = array<i64: 1024, 1024>}]} {
    %get3A = arith.constant 0 : index
    %get3A_0 = arith.constant 0 : index
    %get3A_1 = vector.load %arg3[%get3A, %get3A_0] : memref<1024x256xi32, #tpu.memory_space<vmem>>, vector<1024x256xi32>
    %shift_left3A = arith.constant 16 : i32
    %shift_left3A_2 = vector.broadcast %shift_left3A : i32 to vector<1024x256xi32>
    %shift_left3A_3 = arith.shli %get3A_1, %shift_left3A_2 : vector<1024x256xi32>
    %bitcast_convert_type3A = tpu.bitcast %shift_left3A_3 : vector<1024x256xi32> -> vector<1024x256xf32>
    %and3A = arith.constant -65536 : i32
    %and3A_4 = vector.broadcast %and3A : i32 to vector<1024x256xi32>
    %and3A_5 = arith.andi %get3A_1, %and3A_4 : vector<1024x256xi32>
    %bitcast_convert_type3A_6 = tpu.bitcast %and3A_5 : vector<1024x256xi32> -> vector<1024x256xf32>
    %get3A_7 = arith.constant 0 : index
    %get3A_8 = arith.constant 0 : index
    %get3A_9 = vector.load %arg2[%get3A_7, %get3A_8] : memref<1024x1024xf32, #tpu.memory_space<vmem>>, vector<1024x256xf32>
    %add3A = arith.addf %get3A_9, %bitcast_convert_type3A : vector<1024x256xf32>
    %swap3A = arith.constant 0 : index
    %swap3A_10 = arith.constant 0 : index
    %swap3A_11 = vector.load %arg5[%swap3A, %swap3A_10] : memref<1024x1024xf32, #tpu.memory_space<vmem>>, vector<1024x256xf32>
    tpu.vector_store %arg5[%swap3A, %swap3A_10], %add3A {strides = array<i32>} : memref<1024x1024xf32, #tpu.memory_space<vmem>>, vector<1024x256xf32>,
    %get3A_12 = arith.constant 0 : index
    %get3A_13 = arith.constant 256 : index
    %get3A_14 = vector.load %arg2[%get3A_12, %get3A_13] : memref<1024x1024xf32, #tpu.memory_space<vmem>>, vector<1024x256xf32>
    %add3A_15 = arith.addf %get3A_14, %bitcast_convert_type3A_6 : vector<1024x256xf32>
    %swap3A_16 = arith.constant 0 : index
    %swap3A_17 = arith.constant 256 : index
    %swap3A_18 = vector.load %arg5[%swap3A_16, %swap3A_17] : memref<1024x1024xf32, #tpu.memory_space<vmem>>, vector<1024x256xf32>
    tpu.vector_store %arg5[%swap3A_16, %swap3A_17], %add3A_15 {strides = array<i32>} : memref<1024x1024xf32, #tpu.memory_space<vmem>>, vector<1024x256xf32>,
    %get3A_19 = arith.constant 0 : index
    %get3A_20 = arith.constant 512 : index
    %get3A_21 = vector.load %arg2[%get3A_19, %get3A_20] : memref<1024x1024xf32, #tpu.memory_space<vmem>>, vector<1024x512xf32>
    %get3A_22 = arith.constant 0 : index
    %get3A_23 = arith.constant 0 : index
    %get3A_24 = vector.load %arg4[%get3A_22, %get3A_23] : memref<1x512xf32, #tpu.memory_space<vmem>>, vector<1x512xf32>
    %add3A_25 = vector.broadcast %get3A_24 : vector<1x512xf32> to vector<1024x512xf32>
    %add3A_26 = arith.addf %get3A_21, %add3A_25 : vector<1024x512xf32>
    %swap3A_27 = arith.constant 0 : index
    %swap3A_28 = arith.constant 512 : index
    %swap3A_29 = vector.load %arg5[%swap3A_27, %swap3A_28] : memref<1024x1024xf32, #tpu.memory_space<vmem>>, vector<1024x512xf32>
    tpu.vector_store %arg5[%swap3A_27, %swap3A_28], %add3A_26 {strides = array<i32>} : memref<1024x1024xf32, #tpu.memory_space<vmem>>, vector<1024x512xf32>,
    return
  }
  func.func @transform_1(%arg0: i32) -> (i32, i32) {
    %add3A = arith.constant 8 : i32
    %add3A_0 = arith.addi %arg0, %add3A : i32
    %c0_i32 = arith.constant 0 : i32
    %c0_i32_1 = arith.constant 0 : i32
    return %add3A_0, %c0_i32 : i32, i32
  }
  func.func @transform_2(%arg0: i32) -> (i32, i32) {
    %c0_i32 = arith.constant 0 : i32
    %c0_i32_0 = arith.constant 0 : i32
    return %arg0, %c0_i32 : i32, i32
  }
  func.func @transform_3(%arg0: i32) -> (i32, i32) {
    %c0_i32 = arith.constant 0 : i32
    %c0_i32_0 = arith.constant 0 : i32
    %c0_i32_1 = arith.constant 0 : i32
    return %c0_i32, %c0_i32_0 : i32, i32
  }
  func.func @transform_4(%arg0: i32) -> (i32, i32) {
    %add3A = arith.constant 8 : i32
    %add3A_0 = arith.addi %arg0, %add3A : i32
    %c0_i32 = arith.constant 0 : i32
    %c0_i32_1 = arith.constant 0 : i32
    return %add3A_0, %c0_i32 : i32, i32
  }
}

</mosaic_0001>

<sc_bundles>
// kernel: kernel.12.cloned.1.call-start
scs
__scs_entry_jumppad:
0x0: {  	(pc) =	sbr.rel $0x88, $3  }
0x1: {  	(tag) =	ssettag $0x0;
	lr =	simm.s32 $0x1  }
0x2: {  	[smem:$0x3F9C] =	sst lr;
	_ =	strace $0xD0000000  }
0x3: {  	_ = 	snop  }
0x4: {  	_ = 	snop  }
0x5: {  	_ = 	snop  }
0x6: {  	_ = 	snop  }
0x7: {  	_ = 	snop  }
__scs_overlays_trampoline_lowered:
0x8: {  	[smem:$0x3FAB] =	sst s0  }
0x9: {  	[smem:$0x3FAC] =	sst s1  }
0xa: {  	[smem:$0x3FAD] =	sst s2  }
0xb: {  	[smem:$0x3FAE] =	sst s3  }
0xc: {  	[smem:$0x3FAF] =	sst s4  }
0xd: {  	[smem:$0x3FB0] =	sst s5  }
0xe: {  	[smem:$0x3FB1] =	sst s6  }
0xf: {  	[smem:$0x3FB2] =	sst s7  }
0x10: {  	[smem:$0x3FB3] =	sst s8  }
0x11: {  	[smem:$0x3FB4] =	sst s9;
	s0 =	simm.s32 @!p0 $0x0  }
0x12: {  	s1 =	sld [smem:$0x3F9A];
	s0 =	simm.s32 @p0 $0x1  }
0x13: {  	[smem:$0x3FB5] =	sst s0;
	s0 =	simm.s32 @!p1 $0x0  }
0x14: {  	s2 =	sld [smem:$0x3F99];
	s0 =	simm.s32 @p1 $0x1  }
0x15: {  	[smem:$0x3FB6] =	sst s0;
	s0 =	simm.s32 @!p2 $0x0  }
0x16: {  	s3 =	sld [smem:$0x3FDB];
	s0 =	simm.s32 @p2 $0x1  }
0x17: {  	s4 =	simm.s32 $0x1BF5;
	[smem:$0x3FB8] =	sst s0  }
0x18: {  	s0 =	sld [smem:$0x3F9B];
	_ =	swait.ge [sflag:s4], $0x0  }
0x19: {  	s7 =	sld [smem:$0x3F9C]  }
0x1a: {  	s8 =	sadd.s32 $0xFFFFE003, lr  }
0x1b: {  	s9 =	sadd.s32 $0xFFFFFEF7, lr;
	s5 =	simm.s32 $0xFFFFFFFF;
	p2 =	slt.u32 s8, $0xFFFFF086  }
0x1c: {  	p1 =	slt.u32 s9, $0xF7A;
	s5 =	simm.s32 @!p2 $0x0  }
0x1d: {  	s5 =	simm.s32 @p1 $0x1;
	p0 =	seq.s32 s7, s2  }
0x1e: {  	s7 =	smul.u32 @!p0 $0xF7A, s2;
	p2 =	seq.s32 @!p0 s5, $0x0  }
0x1f: {  	s9 =	smul.u32 $0xF7A, s1;
	s8 =	simm.s32 @!p0 $0x1BF5;
	p2 =	por !p2, p0  }
0x20: {  	[sflag:s8] =	ssyncset.s32 @!p0 $0xFFFFF086;
	s6 =	sadd.s32 @!p0 s3, s7;
	s7 =	simm.s32 @!p0 $0x108  }
0x21: {  	s3 =	sadd.s32 s3, s9;
	s6 =	sadd.s32 @!p0 $0x88, s6;
	s7 =	simm.s32 @p2 $0x1082  }
0x22: {  	[simem:s7], [sflag:s8] =	dma.local @!p0 [hbm:s6], $0xF7A  }
0x23: {  	s9 =	sor.u32 $0xD0000000, s2;
	s6 =	simm.s32 $0x108;
	_ =	swait.ge @!p0 [sflag:s8], $0x0  }
0x24: {  	s3 =	sadd.s32 $0x88, s3;
	s6 =	simm.s32 @!p1 $0x1082;
	[sflag:s4] =	ssyncset.s32 $0xFFFFF086  }
0x25: {  	[simem:s6], [sflag:s4] =	dma.local [hbm:s3], $0xF7A  }
0x26: {  	[smem:$0x3F9C] =	sst s1;
	(tag) =	ssettag s2;
	_ =	strace s9  }
0x27: {  	s1 =	sld [smem:$0x3FAC]  }
0x28: {  	s2 =	sld [smem:$0x3FAD]  }
0x29: {  	s4 =	sld [smem:$0x3FAF]  }
0x2a: {  	p0 =	seq.s32 s5, $0x0;
	s5 =	sld [smem:$0x3FB0]  }
0x2b: {  	s6 =	sld [smem:$0x3FB1]  }
0x2c: {  	s7 =	sld [smem:$0x3FB2]  }
0x2d: {  	s3 =	simm.s32 $0x108;
	s8 =	sld [smem:$0x3FB3]  }
0x2e: {  	s3 =	simm.s32 @!p0 $0x1082;
	s9 =	sld [smem:$0x3FB4]  }
0x2f: {  	lr =	sadd.s32 s0, s3;
	s0 =	sld [smem:$0x3FAB]  }
0x30: {  	s3 =	sld [smem:$0x3FAE]  }
0x31: {  	[smem:$0x3FB7] =	sst s10  }
0x32: {  	s10 =	sld [smem:$0x3FB5];
	_ =	sdelay $0x3  }
0x33: {  	p0 =	seq.s32 s10, $0x1;
	s10 =	sld [smem:$0x3FB7];
	_ =	sdelay $0x3  }
0x34: {  	[smem:$0x3FB7] =	sst s10  }
0x35: {  	s10 =	sld [smem:$0x3FB6];
	_ =	sdelay $0x3  }
0x36: {  	p1 =	seq.s32 s10, $0x1;
	s10 =	sld [smem:$0x3FB7];
	_ =	sdelay $0x3  }
0x37: {  	[smem:$0x3FB7] =	sst s10  }
0x38: {  	s10 =	sld [smem:$0x3FB8]  }
0x39: {  	_ = 	snop;
	(pc) =	sbr.ind lr, $3  }
0x3a: {  	_ = 	snop  }
0x3b: {  	_ = 	snop  }
0x3c: {  	p2 =	seq.s32 s10, $0x1;
	s10 =	sld [smem:$0x3FB7]  }
0x3d: {  	_ =	shalt  }
0x3e: {  	_ =	shalt  }
0x3f: {  	_ =	shalt  }
0x40: {  	_ =	shalt  }
0x41: {  	_ =	shalt  }
0x42: {  	_ =	shalt  }
0x43: {  	_ =	shalt  }
0x44: {  	_ =	shalt  }
0x45: {  	_ =	shalt  }
0x46: {  	_ =	shalt  }
0x47: {  	_ =	shalt  }
0x48: {  	_ =	shalt  }
0x49: {  	_ =	shalt  }
0x4a: {  	_ =	shalt  }
0x4b: {  	_ =	shalt  }
0x4c: {  	_ =	shalt  }
0x4d: {  	_ =	shalt  }
0x4e: {  	_ =	shalt  }
0x4f: {  	_ =	shalt  }
0x50: {  	_ =	shalt  }
0x51: {  	_ =	shalt  }
0x52: {  	_ =	shalt  }
0x53: {  	_ =	shalt  }
0x54: {  	_ =	shalt  }
0x55: {  	_ =	shalt  }
0x56: {  	_ =	shalt  }
0x57: {  	_ =	shalt  }
0x58: {  	_ =	shalt  }
0x59: {  	_ =	shalt  }
0x5a: {  	_ =	shalt  }
0x5b: {  	_ =	shalt  }
0x5c: {  	_ =	shalt  }
0x5d: {  	_ =	shalt  }
0x5e: {  	_ =	shalt  }
0x5f: {  	_ =	shalt  }
0x60: {  	_ =	shalt  }
0x61: {  	_ =	shalt  }
0x62: {  	_ =	shalt  }
0x63: {  	_ =	shalt  }
0x64: {  	_ =	shalt  }
0x65: {  	_ =	shalt  }
0x66: {  	_ =	shalt  }
0x67: {  	_ =	shalt  }
0x68: {  	_ =	shalt  }
0x69: {  	_ =	shalt  }
0x6a: {  	_ =	shalt  }
0x6b: {  	_ =	shalt  }
0x6c: {  	_ =	shalt  }
0x6d: {  	_ =	shalt  }
0x6e: {  	_ =	shalt  }
0x6f: {  	_ =	shalt  }
0x70: {  	_ =	shalt  }
0x71: {  	_ =	shalt  }
0x72: {  	_ =	shalt  }
0x73: {  	_ =	shalt  }
0x74: {  	_ =	shalt  }
0x75: {  	_ =	shalt  }
0x76: {  	_ =	shalt  }
0x77: {  	_ =	shalt  }
0x78: {  	_ =	shalt  }
0x79: {  	_ =	shalt  }
0x7a: {  	_ =	shalt  }
0x7b: {  	_ =	shalt  }
0x7c: {  	_ =	shalt  }
0x7d: {  	_ =	shalt  }
0x7e: {  	_ =	shalt  }
0x7f: {  	_ =	shalt  }
0x80: {  	_ =	shalt  }
0x81: {  	_ =	shalt  }
0x82: {  	_ =	shalt  }
0x83: {  	_ =	shalt  }
0x84: {  	_ =	shalt  }
0x85: {  	_ =	shalt  }
0x86: {  	_ =	shalt  }
0x87: {  	_ =	shalt  }
.Lfunc_end0:
.L_simem_size_0:
called_computation.1_lowered:
.L_overlay_start_0:
0x88: {  	s2 =	sld [smem:$0x3FD9]  }
0x89: {  	s3 =	sld [smem:$0x3FFE];
	_ =	sdelay $0x1  }
0x8a: {  	s1 =	srdreg.scid  }
0x8b: {  	s0 =	sand.u32 $0x1, s1  }
0x8c: {  	s17 =	sshll.u32 s0, $0xA;
	s2 =	sadd.s32 s3, s2  }
0x8d: {  	s2 =	sadd.s32 s2, s17  }
0x8e: {  	[smem:$0x3FC3] =	sst s2  }
0x8f: {  	_ = 	snop  }
0x90: {  	(tm) =	ssettm $0x1  }
0x91: {  	s18 =	sld [smem:$0x3FFB];
	_ =	sdelay $0x3  }
0x92: {  	_ =	strace s18  }
0x93: {  	s2 =	sld [smem:$0x3FFC];
	_ =	sdelay $0x3  }
0x94: {  	_ =	strace s2  }
0x95: {  	s2 =	sld [smem:$0x3FFD];
	_ =	sdelay $0x3  }
0x96: {  	_ =	strace s2  }
0x97: {  	_ =	strace $0x8FFFFFFF  }
0x98: {  	s19 =	sld [smem:$0x3FDB];
	_ =	sdelay $0x1  }
0x99: {  	s20 =	simm.s32 $_scs_section_size  }
0x9a: {  	s4 =	simm.s32 $_size__tile_overlayer_lowered;
	s5 =	simm.s32 $_tile_overlayer_lowered  }
0x9b: {  	s6 =	simm.s32 $0x1BFF;
	s21 =	sshll.u32 s5, $0x1;
	s3 =	sadd.s32 s20, s19  }
0x9c: {  	s22 =	simm.s32 $0x0;
	s4 =	sshll.u32 s4, $0x1;
	s5 =	sadd.s32 s21, s3  }
0x9d: {  	[timem:s22], [sflag:s6] =	dma.local [hbm:s5], s4  }
0x9e: {  	_ =	swait.ge [sflag:s6], s4  }
0x9f: {  	s4 =	ssub.s32 $0x0, s4;
	[sflag:s6] =	ssyncset.done $0x0  }
0xa0: {  	[sflag:s6] =	ssyncadd.s32 s4;
	_ =	sdelay $0x1  }
0xa1: {  	s23 =	simm.s32 $0x1B8B  }
0xa2: {  	_ =	swait.ge [sflag:s23], $0x1  }
0xa3: {  	[sflag:s23] =	ssyncset.done $0x0  }
0xa4: {  	[sflag:s23] =	ssyncadd.s32 $0xFFFFFFFF  }
0xa5: {  	s4 =	sld [smem:$0x0]  }
0xa6: {  	s5 =	sand.u32 $0xFFFFFFFE, s1  }
0xa7: {  	p0 =	sne.s32 s1, s5  }
0xa8: {  	s5 =	sshll.u32 @p0 s5, $0xE  }
0xa9: {  	s5 =	sadd.s32 @p0 $0x11B8D, s5;
	s6 =	sshll.u32 @p0 s4, $0x11  }
0xaa: {  	s5 =	sor.u32 @p0 s6, s5  }
0xab: {  	[sflag:s5] =	ssyncadd.remote.s32 @p0 $0x1;
	_ =	sdelay $0x1  }
0xac: {  	s5 =	simm.s32 @p0 $0x1B8D  }
0xad: {  	_ =	swait.eq @p0 [sflag:s5], $0x1  }
0xae: {  	[sflag:s5] =	ssyncadd.s32 @p0 $0xFFFFFFFF  }
0xaf: {  	s6 =	sshll.u32 @!p0 s1, $0xE  }
0xb0: {  	s6 =	sor.u32 @!p0 $0x4000, s6;
	s5 =	simm.s32 @!p0 $0x1B8D  }
0xb1: {  	s4 =	sshll.u32 @!p0 s4, $0x11;
	s6 =	sadd.s32 @!p0 $0x11B8D, s6;
	_ =	swait.eq @!p0 [sflag:s5], $0x1  }
0xb2: {  	s4 =	sor.u32 @!p0 s4, s6;
	[sflag:s5] =	ssyncadd.s32 @!p0 $0xFFFFFFFF  }
0xb3: {  	s25 =	simm.s32 $0x1B8E;
	s24 =	sld [smem:$0x3FFE];
	[sflag:s4] =	ssyncadd.remote.s32 @!p0 $0x1  }
0xb4: {  	s26 =	simm.s32 $execute0_lowered;
	[smem:$0x3FD2] =	sst s25  }
0xb5: {  	s5 =	sshll.u32 s26, $0x1;
	_ =	strace $0x80000049;
	[dreg:$0x1] =	wrdreg $0xFFFFFFFF  }
0xb6: {  	s28 =	simm.s32 $_size_execute0_lowered;
	s3 =	sadd.s32 s3, s5;
	[dreg:$0x0] =	wrdreg $0x0  }
0xb7: {  	s5 =	sshll.u32 s28, $0x1;
	[dreg:$0x2] =	wrdreg s3  }
0xb8: {  	[dreg:$0x3] =	wrdreg s5  }
0xb9: {  	[dreg:$0x4] =	wrdreg $0xC0  }
0xba: {  	_ =	task [dreg:s22], $0x5FFFF  }
0xbb: {  	[dreg:$0x1] =	wrdreg $0xFFFFFFFF  }
0xbc: {  	[dreg:$0x0] =	wrdreg $0x60  }
0xbd: {  	[dreg:$0x2] =	wrdreg s24  }
0xbe: {  	[dreg:$0x3] =	wrdreg $0xA  }
0xbf: {  	_ =	task.clear_ibuf [dreg:s22], $0x4FFFF;
	_ =	strace $0x90000049  }
0xc0: {  	s29 =	simm.s32 $0xA;
	_ =	strace $0x8000004B  }
0xc1: {  	_ =	swait.ge [sflag:s29], $0x1  }
0xc2: {  	[sflag:s29] =	ssyncadd.s32 $0xFFFFFFFF  }
0xc3: {  	_ =	strace $0x9000004B  }
0xc4: {  	_ =	sfence  }
0xc5: {  	s30 =	sld [smem:$0x0];
	_ =	sdelay $0x2  }
0xc6: {  	s31 =	sshll.u32 s1, $0xD;
	s1 =	sshrl.u32 s1, $0x2  }
0xc7: {  	s4 =	sand.u32 $0x4000, s31;
	s1 =	sadd.s32 s1, s30  }
0xc8: {  	s0 =	sor.u32 s4, s0;
	s1 =	sshll.u32 s1, $0x11  }
0xc9: {  	s0 =	sor.u32 s1, s0  }
0xca: {  	s0 =	sadd.s32 $0x8F2B, s0  }
0xcb: {  	[sflag:s0] =	ssyncadd.remote.s32 $0x1  }
0xcc: {  	_ =	sfence.sel $0xFFFF  }
0xcd: {  	[dreg:$0x0] =	wrdreg $0xFFFFFFFF;
	(pc) =	sbr.abs _section_cstart, $3  }
0xce: {  	[dreg:$0x1] =	wrdreg $0xFFFFFFFF  }
0xcf: {  	_ =	task.clear_ibuf [dreg:s22], $0x2FFFF;
	_ =	strace $0x9FFFFFFF  }
0xd0: {  	(tm) =	ssettm $0x7FFFFFFF  }
0xd1: {  	_ =	shalt  }
tec
execute0_lowered:
.L_overlay_start_1:
0x0: {  	(tag) =	ssettag $0x1  }
0x1: {  	s1 =	srdreg.scid;
	s0 =	stileid.u32  }
0x2: {  	s4 =	rddreg [dreg:$0x0];
	s2 =	simm.s32 $0x0;
	s10 =	simm.s32 $0x80  }
0x3: {  	s11 =	simm.s32 $0x180;
	s12 =	simm.s32 $0x980;
	s13 =	simm.s32 $0x1180  }
0x4: {  	s14 =	simm.s32 $0x1980;
	s15 =	simm.s32 $0x2180;
	s16 =	simm.s32 $0x2980  }
0x5: {  	s17 =	simm.s32 $0x3180;
	s18 =	simm.s32 $0x3980;
	s19 =	simm.s32 $0x4180  }
0x6: {  	s20 =	simm.s32 $0x4980;
	s21 =	simm.s32 $0x5180;
	s22 =	simm.s32 $0x5980  }
0x7: {  	s23 =	simm.s32 $0x6180;
	s24 =	simm.s32 $0x6980;
	s25 =	simm.s32 $0x7180  }
0x8: {  	s26 =	simm.s32 $0x7980;
	s28 =	simm.s32 $0x1;
	s29 =	simm.s32 $0x2  }
0x9: {  	s3 =	sand.u32 $0x1, s1;
	s5 =	sshll.u32 s0, $0x8;
	[smem:$0x7FF] =	sst s2  }
0xa: {  	s1 =	rddreg [dreg:$0x1];
	s6 =	sshll.u32 s3, $0x7;
	_ =	strace $0x8000004A  }
0xb: {  	s7 =	ssub.s32 $0x2, s3;
	s3 =	sadd.s32 $0x2800, s4;
	s5 =	sor.u32 s6, s5  }
0xc: {  	s8 =	sshrl.u32 s7, $0x1;
	s6 =	sshrl.u32 s5, $0x3;
	s5 =	sshll.u32 s5, $0x5  }
0xd: {  	v2 =	vlaneseq.u32;
	s8 =	ssub.s32 s7, s8;
	s6 =	sadd.s32 s6, s4;
	s9 =	sadd.s32 s5, s4  }
0xe: {  	vm0 =	vmmov $0xffff;
	v1 =	vshrl.u32 v2, $0x3;
	s8 =	smax.u32 s8, $0x1;
	s4 =	sadd.s32 $0x2200, s6;
	s5 =	sadd.s32 $0x1A00, s6  }
0xf: {  	v0 =	vand.u32 $0x7, v2;
	v2 =	vor.u32 $0x8, v2;
	v1 =	vmul.u32 $0x8, v1;
	s6 =	sadd.s32 $0x53C00, s9;
	s7 =	sadd.s32 $0x54400, s9;
	s9 =	simm.s32 $0x3  }
.LBB2_1:
0x10: {  	[tilespmem:s2], [sflag:$0x3] =	stream.linear.gather [hbm4b:s4+s2], $0x80, $0x38;
	[tilespmem:$0x8180] =	vst v63  }
0x11: {  	_ =	swait.ge [sflag:s9], $0x80  }
0x12: {  	[sflag:s9] =	ssyncset.done $0x0  }
0x13: {  	[sflag:s9] =	ssyncadd.s32 $0xFFFFFF80  }
0x14: {  	[tilespmem:s10], [sflag:$0x3] =	stream.linear.gather [hbm4b:s5+s2], $0x80, $0x38;
	[tilespmem:$0x8180] =	vst v63  }
0x15: {  	_ =	swait.ge [sflag:s9], $0x80  }
0x16: {  	[sflag:s9] =	ssyncset.done $0x0  }
0x17: {  	[sflag:s9] =	ssyncadd.s32 $0xFFFFFF80  }
0x18: {  	v3 =	vld [tilespmem:$0x0]  }
0x19: {  	v4 =	vld [tilespmem:$0x80]  }
0x1a: {  	v5 =	vld [tilespmem:$0x10]  }
0x1b: {  	v6 =	vld [tilespmem:$0x90]  }
0x1c: {  	v7 =	vld [tilespmem:$0x20]  }
0x1d: {  	v8 =	vld [tilespmem:$0xA0]  }
0x1e: {  	v9 =	vld [tilespmem:$0x30]  }
0x1f: {  	v10 =	vld [tilespmem:$0xB0]  }
0x20: {  	v11 =	vld [tilespmem:$0x40]  }
0x21: {  	v12 =	vld [tilespmem:$0xC0]  }
0x22: {  	v13 =	vld [tilespmem:$0x50]  }
0x23: {  	v14 =	vld [tilespmem:$0xD0]  }
0x24: {  	v15 =	vld [tilespmem:$0x60];
	v3 =	vmul.f32 $9.900000000e+01, v3  }
0x25: {  	v40 =	vld [tilespmem:$0x70];
	v4 =	vmul.f32 $9.900000000e+01, v4;
	v5 =	vmul.f32 $9.900000000e+01, v5  }
0x26: {  	v43 =	vld [tilespmem:$0xF0];
	v6 =	vmul.f32 $9.900000000e+01, v6;
	v7 =	vmul.f32 $9.900000000e+01, v7  }
0x27: {  	v8 =	vmul.f32 $9.900000000e+01, v8;
	v9 =	vmul.f32 $9.900000000e+01, v9  }
0x28: {  	v10 =	vmul.f32 $9.900000000e+01, v10;
	v11 =	vmul.f32 $9.900000000e+01, v11  }
0x29: {  	v12 =	vmul.f32 $9.900000000e+01, v12;
	v39 =	vmul.f32 $9.900000000e+01, v13  }
0x2a: {  	v14 =	vmul.f32 $9.900000000e+01, v14;
	v15 =	vmul.f32 $9.900000000e+01, v15  }
0x2b: {  	v13 =	vmul.f32 $9.900000000e+01, v40;
	v50 =	vmul.f32 $9.900000000e+01, v43  }
0x2c: {  	v3 =	vtrunc.f32 v3;
	v4 =	vtrunc.f32 v4  }
0x2d: {  	v5 =	vtrunc.f32 v5;
	v6 =	vtrunc.f32 v6  }
0x2e: {  	v7 =	vtrunc.f32 v7;
	v8 =	vtrunc.f32 v8  }
0x2f: {  	v9 =	vtrunc.f32 v9;
	v10 =	vtrunc.f32 v10  }
0x30: {  	v11 =	vtrunc.f32 v11;
	v38 =	vtrunc.f32 v12  }
0x31: {  	v12 =	vtrunc.f32 v39;
	v42 =	vtrunc.f32 v14  }
0x32: {  	v45 =	vtrunc.f32 v15;
	v48 =	vtrunc.f32 v13  }
0x33: {  	v53 =	vtrunc.f32 v50;
	v3 =	vcvt.f32.s32 v3  }
0x34: {  	v37 =	vld [tilespmem:$0xE0];
	v4 =	vcvt.f32.s32 v4;
	v5 =	vcvt.f32.s32 v5  }
0x35: {  	v6 =	vcvt.f32.s32 v6;
	v7 =	vcvt.f32.s32 v7  }
0x36: {  	v8 =	vcvt.f32.s32 v8;
	v9 =	vcvt.f32.s32 v9  }
0x37: {  	v35 =	vcvt.f32.s32 v10;
	v36 =	vcvt.f32.s32 v11  }
0x38: {  	v41 =	vcvt.f32.s32 v12;
	v44 =	vcvt.f32.s32 v42;
	v3 =	vmul.u32 $0x68, v3  }
0x39: {  	v11 =	vmul.f32 $9.900000000e+01, v37;
	v12 =	vcvt.f32.s32 v45;
	v5 =	vmul.u32 $0x68, v5  }
0x3a: {  	v7 =	vmul.u32 $0x68, v7;
	v9 =	vmul.u32 $0x68, v9;
	v3 =	vadd.s32 v4, v3  }
0x3b: {  	v10 =	vmul.u32 $0x68, v36;
	v47 =	vtrunc.f32 v11;
	v46 =	vshll.u32 v3, $0x1  }
0x3c: {  	v49 =	vmul.u32 $0x68, v41;
	v4 =	vand.u32 $0x7, v4;
	v15 =	vand.u32 $0xFFFFFFF0, v46  }
0x3d: {  	v11 =	vcvt.f32.s32 v48;
	v5 =	vadd.s32 v6, v5;
	[tilespmem:$0x100] =	vst v3;
	v3 =	vor.u32 v4, v15  }
0x3e: {  	v7 =	vadd.s32 v8, v7;
	v8 =	vcvt.f32.s32 v38;
	[tilespmem:$0x110] =	vst v5;
	v51 =	vperm.xlane v3, v0  }
0x3f: {  	v6 =	vadd.s32 v35, v9;
	v55 =	vmul.u32 $0x68, v11;
	[tilespmem:$0x120] =	vst v7;
	v5 =	vadd.s32 v44, v49  }
0x40: {  	[tilespmem:$0x130] =	vst v6;
	v6 =	vcvt.f32.s32 v53;
	v3 =	vperm.xlane v3, v2;
	v54 =	vadd.s32 v1, v51  }
0x41: {  	v52 =	vmul.u32 $0x68, v12;
	v8 =	vadd.s32 v8, v10;
	[tilespmem:$0x150] =	vst v5;
	v4 =	vcvt.f32.s32 v47  }
0x42: {  	[tilespmem:$0x140] =	vst v8;
	v56 =	vadd.s32 v6, v55;
	v3 =	vadd.s32 v1, v3  }
0x43: {  	[tilespmem:$0x170] =	vst v56;
	v4 =	vadd.s32 v4, v52  }
0x44: {  	[tilespmem:$0x160] =	vst v4  }
0x45: {  	[tilespmem:s11], [sflag:$0x1] =	stream.indirect_vreg.gather [hbm4b:s3+s2], $0x80, v54, vm0, $0xb8;
	[tilespmem:$0x8180] =	vst v63  }
0x46: {  	_ = 	snop  }
0x47: {  	[tilespmem:s12], [sflag:$0x1] =	stream.indirect_vreg.gather [hbm4b:s3+s2], $0x80, v3, vm0, $0xb8;
	[tilespmem:$0x8180] =	vst v63  }
0x48: {  	v3 =	vld [tilespmem:$0x110];
	_ =	sdelay $0x4  }
0x49: {  	v57 =	vshll.u32 v3, $0x1  }
0x4a: {  	v3 =	vand.u32 $0x7, v3;
	v4 =	vand.u32 $0xFFFFFFF0, v57  }
0x4b: {  	v3 =	vor.u32 v3, v4  }
0x4c: {  	v4 =	vperm.xlane v3, v0;
	_ =	sdelay $0x1  }
0x4d: {  	v3 =	vperm.xlane v3, v2;
	v4 =	vadd.s32 v1, v4;
	_ =	sdelay $0x1  }
0x4e: {  	v3 =	vadd.s32 v1, v3;
	_ =	sdelay $0x2  }
0x4f: {  	[tilespmem:s13], [sflag:$0x1] =	stream.indirect_vreg.gather [hbm4b:s3+s2], $0x80, v4, vm0, $0xb8;
	[tilespmem:$0x8180] =	vst v63  }
0x50: {  	_ = 	snop  }
0x51: {  	[tilespmem:s14], [sflag:$0x1] =	stream.indirect_vreg.gather [hbm4b:s3+s2], $0x80, v3, vm0, $0xb8;
	[tilespmem:$0x8180] =	vst v63  }
0x52: {  	v3 =	vld [tilespmem:$0x120];
	_ =	sdelay $0x4  }
0x53: {  	v58 =	vshll.u32 v3, $0x1  }
0x54: {  	v3 =	vand.u32 $0x7, v3;
	v4 =	vand.u32 $0xFFFFFFF0, v58  }
0x55: {  	v3 =	vor.u32 v3, v4  }
0x56: {  	v4 =	vperm.xlane v3, v0;
	_ =	sdelay $0x1  }
0x57: {  	v3 =	vperm.xlane v3, v2;
	v4 =	vadd.s32 v1, v4;
	_ =	sdelay $0x1  }
0x58: {  	v3 =	vadd.s32 v1, v3;
	_ =	sdelay $0x2  }
0x59: {  	[tilespmem:s15], [sflag:$0x1] =	stream.indirect_vreg.gather [hbm4b:s3+s2], $0x80, v4, vm0, $0xb8;
	[tilespmem:$0x8180] =	vst v63  }
0x5a: {  	_ = 	snop  }
0x5b: {  	[tilespmem:s16], [sflag:$0x1] =	stream.indirect_vreg.gather [hbm4b:s3+s2], $0x80, v3, vm0, $0xb8;
	[tilespmem:$0x8180] =	vst v63  }
0x5c: {  	v3 =	vld [tilespmem:$0x130];
	_ =	sdelay $0x4  }
0x5d: {  	v59 =	vshll.u32 v3, $0x1  }
0x5e: {  	v3 =	vand.u32 $0x7, v3;
	v4 =	vand.u32 $0xFFFFFFF0, v59  }
0x5f: {  	v3 =	vor.u32 v3, v4  }
0x60: {  	v4 =	vperm.xlane v3, v0;
	_ =	sdelay $0x1  }
0x61: {  	v3 =	vperm.xlane v3, v2;
	v4 =	vadd.s32 v1, v4;
	_ =	sdelay $0x1  }
0x62: {  	v3 =	vadd.s32 v1, v3;
	_ =	sdelay $0x2  }
0x63: {  	[tilespmem:s17], [sflag:$0x1] =	stream.indirect_vreg.gather [hbm4b:s3+s2], $0x80, v4, vm0, $0xb8;
	[tilespmem:$0x8180] =	vst v63  }
0x64: {  	_ = 	snop  }
0x65: {  	[tilespmem:s18], [sflag:$0x1] =	stream.indirect_vreg.gather [hbm4b:s3+s2], $0x80, v3, vm0, $0xb8;
	[tilespmem:$0x8180] =	vst v63  }
0x66: {  	v3 =	vld [tilespmem:$0x140];
	_ =	sdelay $0x4  }
0x67: {  	v60 =	vshll.u32 v3, $0x1  }
0x68: {  	v3 =	vand.u32 $0x7, v3;
	v4 =	vand.u32 $0xFFFFFFF0, v60  }
0x69: {  	v3 =	vor.u32 v3, v4  }
0x6a: {  	v4 =	vperm.xlane v3, v0;
	_ =	sdelay $0x1  }
0x6b: {  	v3 =	vperm.xlane v3, v2;
	v4 =	vadd.s32 v1, v4;
	_ =	sdelay $0x1  }
0x6c: {  	v3 =	vadd.s32 v1, v3;
	_ =	sdelay $0x2  }
0x6d: {  	[tilespmem:s19], [sflag:$0x2] =	stream.indirect_vreg.gather [hbm4b:s3+s2], $0x80, v4, vm0, $0xb8;
	[tilespmem:$0x8180] =	vst v63  }
0x6e: {  	_ = 	snop  }
0x6f: {  	[tilespmem:s20], [sflag:$0x2] =	stream.indirect_vreg.gather [hbm4b:s3+s2], $0x80, v3, vm0, $0xb8;
	[tilespmem:$0x8180] =	vst v63  }
0x70: {  	v3 =	vld [tilespmem:$0x150];
	_ =	sdelay $0x4  }
0x71: {  	v61 =	vshll.u32 v3, $0x1  }
0x72: {  	v3 =	vand.u32 $0x7, v3;
	v4 =	vand.u32 $0xFFFFFFF0, v61  }
0x73: {  	v3 =	vor.u32 v3, v4  }
0x74: {  	v4 =	vperm.xlane v3, v0;
	_ =	sdelay $0x1  }
0x75: {  	v3 =	vperm.xlane v3, v2;
	v4 =	vadd.s32 v1, v4;
	_ =	sdelay $0x1  }
0x76: {  	v3 =	vadd.s32 v1, v3;
	_ =	sdelay $0x2  }
0x77: {  	[tilespmem:s21], [sflag:$0x2] =	stream.indirect_vreg.gather [hbm4b:s3+s2], $0x80, v4, vm0, $0xb8;
	[tilespmem:$0x8180] =	vst v63  }
0x78: {  	_ = 	snop  }
0x79: {  	[tilespmem:s22], [sflag:$0x2] =	stream.indirect_vreg.gather [hbm4b:s3+s2], $0x80, v3, vm0, $0xb8;
	[tilespmem:$0x8180] =	vst v63  }
0x7a: {  	v3 =	vld [tilespmem:$0x160];
	_ =	sdelay $0x4  }
0x7b: {  	v62 =	vshll.u32 v3, $0x1  }
0x7c: {  	v3 =	vand.u32 $0x7, v3;
	v4 =	vand.u32 $0xFFFFFFF0, v62  }
0x7d: {  	v3 =	vor.u32 v3, v4  }
0x7e: {  	v4 =	vperm.xlane v3, v0;
	_ =	sdelay $0x1  }
0x7f: {  	v3 =	vperm.xlane v3, v2;
	v4 =	vadd.s32 v1, v4;
	_ =	sdelay $0x1  }
0x80: {  	v3 =	vadd.s32 v1, v3;
	_ =	sdelay $0x2  }
0x81: {  	[tilespmem:s23], [sflag:$0x2] =	stream.indirect_vreg.gather [hbm4b:s3+s2], $0x80, v4, vm0, $0xb8;
	[tilespmem:$0x8180] =	vst v63  }
0x82: {  	_ = 	snop  }
0x83: {  	[tilespmem:s24], [sflag:$0x2] =	stream.indirect_vreg.gather [hbm4b:s3+s2], $0x80, v3, vm0, $0xb8;
	[tilespmem:$0x8180] =	vst v63  }
0x84: {  	v3 =	vld [tilespmem:$0x170];
	_ =	sdelay $0x4  }
0x85: {  	v63 =	vshll.u32 v3, $0x1  }
0x86: {  	v3 =	vand.u32 $0x7, v3;
	v4 =	vand.u32 $0xFFFFFFF0, v63  }
0x87: {  	v3 =	vor.u32 v3, v4  }
0x88: {  	v4 =	vperm.xlane v3, v0;
	_ =	sdelay $0x1  }
0x89: {  	v3 =	vperm.xlane v3, v2;
	v4 =	vadd.s32 v1, v4;
	_ =	sdelay $0x1  }
0x8a: {  	v3 =	vadd.s32 v1, v3;
	_ =	sdelay $0x2  }
0x8b: {  	[tilespmem:s25], [sflag:$0x2] =	stream.indirect_vreg.gather [hbm4b:s3+s2], $0x80, v4, vm0, $0xb8;
	[tilespmem:$0x8180] =	vst v63  }
0x8c: {  	_ = 	snop  }
0x8d: {  	[tilespmem:s26], [sflag:$0x2] =	stream.indirect_vreg.gather [hbm4b:s3+s2], $0x80, v3, vm0, $0xb8;
	[tilespmem:$0x8180] =	vst v63  }
0x8e: {  	_ =	swait.ge [sflag:s28], $0x4000  }
0x8f: {  	[sflag:s28] =	ssyncset.done $0x0  }
0x90: {  	[sflag:s28] =	ssyncadd.s32 $0xFFFFC000  }
0x91: {  	[hbm4b:s6+s2] =	stream.linear.scatter [tilespmem:s11], [sflag:$0x3], $0x4000, $0x38;
	[tilespmem:$0x8180] =	vst v63  }
0x92: {  	_ =	swait.ge [sflag:s9], $0x4000  }
0x93: {  	[sflag:s9] =	ssyncset.done $0x0  }
0x94: {  	[sflag:s9] =	ssyncadd.s32 $0xFFFFC000  }
0x95: {  	_ =	swait.ge [sflag:s29], $0x4000  }
0x96: {  	p0 =	sne.s32 s8, $0x1;
	[sflag:s29] =	ssyncset.done $0x0  }
.Ltmp0:
0x97: {  	[sflag:s29] =	ssyncadd.s32 $0xFFFFC000;
	(pc) =	sbr.rel @p0 .LBB2_1-.Ltmp0, $4  }
0x98: {  	[hbm4b:s7+s2] =	stream.linear.scatter [tilespmem:s19], [sflag:$0x3], $0x4000, $0x38;
	[tilespmem:$0x8180] =	vst v63  }
0x99: {  	_ =	swait.ge [sflag:s9], $0x4000  }
0x9a: {  	[sflag:s9] =	ssyncset.done $0x0  }
0x9b: {  	s8 =	sadd.s32 $0xFFFFFFFF, s8;
	[sflag:s9] =	ssyncadd.s32 $0xFFFFC000  }
0x9c: {  	_ =	sfence.sel $0x180000  }
0x9d: {  	[bflag:$0x0] =	sbarrier.arrive $0xFFFF  }
0x9e: {  	p0 =	sne.s32 s0, $0x0;
	_ =	strace $0x9000004A  }
0x9f: {  	s0 =	sadd.s32 @!p0 $0x100000, s1;
	[bflag:$0x2] =	sbarrier.arrive $0xFFFF  }
0xa0: {  	[sflag:s0] =	ssyncadd.tile.s32 @!p0 $0x1;
	_ =	shalt  }
.Lfunc_end2:
_tile_overlayer_lowered:
.L_overlay_start_2:
0xa1: {  	(tag) =	ssettag $0x2  }
0xa2: {  	s0 =	rddreg [dreg:$0x0];
	s2 =	stileid.u32  }
0xa3: {  	s1 =	rddreg [dreg:$0x1];
	p0 =	sne.s32 s2, $0x0  }
0xa4: {  	s3 =	rddreg [dreg:$0x2];
	[bflag:$0x3] =	sbarrier.arrive $0xFFFF;
	s2 =	simm.s32 @!p0 $0x1C03  }
0xa5: {  	[timem:s3], [sflag:s2] =	dma.local @!p0 [hbm:s0], s1  }
0xa6: {  	s0 =	simm.s32 @!p0 $0x3  }
0xa7: {  	_ =	swait.ge @!p0 [sflag:s0], s1  }
0xa8: {  	s1 =	ssub.s32 @!p0 $0x0, s1;
	[sflag:s0] =	ssyncset.done @!p0 $0x0  }
0xa9: {  	[sflag:s0] =	ssyncadd.s32 @!p0 s1  }
0xaa: {  	[bflag:$0x3] =	sbarrier.arrive $0xFFFF  }
0xab: {  	_ =	shalt  }

// kernel: kernel.15.cloned.1.call-start
scs
__scs_entry_jumppad:
0x0: {  	(pc) =	sbr.rel $0x88, $3  }
0x1: {  	(tag) =	ssettag $0x0;
	lr =	simm.s32 $0x1  }
0x2: {  	[smem:$0x3F9C] =	sst lr;
	_ =	strace $0xD0000000  }
0x3: {  	_ = 	snop  }
0x4: {  	_ = 	snop  }
0x5: {  	_ = 	snop  }
0x6: {  	_ = 	snop  }
0x7: {  	_ = 	snop  }
__scs_overlays_trampoline_lowered:
0x8: {  	[smem:$0x3FAB] =	sst s0  }
0x9: {  	[smem:$0x3FAC] =	sst s1  }
0xa: {  	[smem:$0x3FAD] =	sst s2  }
0xb: {  	[smem:$0x3FAE] =	sst s3  }
0xc: {  	[smem:$0x3FAF] =	sst s4  }
0xd: {  	[smem:$0x3FB0] =	sst s5  }
0xe: {  	[smem:$0x3FB1] =	sst s6  }
0xf: {  	[smem:$0x3FB2] =	sst s7  }
0x10: {  	[smem:$0x3FB3] =	sst s8  }
0x11: {  	[smem:$0x3FB4] =	sst s9;
	s0 =	simm.s32 @!p0 $0x0  }
0x12: {  	s1 =	sld [smem:$0x3F9A];
	s0 =	simm.s32 @p0 $0x1  }
0x13: {  	[smem:$0x3FB5] =	sst s0;
	s0 =	simm.s32 @!p1 $0x0  }
0x14: {  	s2 =	sld [smem:$0x3F99];
	s0 =	simm.s32 @p1 $0x1  }
0x15: {  	[smem:$0x3FB6] =	sst s0;
	s0 =	simm.s32 @!p2 $0x0  }
0x16: {  	s3 =	sld [smem:$0x3FDB];
	s0 =	simm.s32 @p2 $0x1  }
0x17: {  	s4 =	simm.s32 $0x1BF5;
	[smem:$0x3FB8] =	sst s0  }
0x18: {  	s0 =	sld [smem:$0x3F9B];
	_ =	swait.ge [sflag:s4], $0x0  }
0x19: {  	s7 =	sld [smem:$0x3F9C]  }
0x1a: {  	s8 =	sadd.s32 $0xFFFFE003, lr  }
0x1b: {  	s9 =	sadd.s32 $0xFFFFFEF7, lr;
	s5 =	simm.s32 $0xFFFFFFFF;
	p2 =	slt.u32 s8, $0xFFFFF086  }
0x1c: {  	p1 =	slt.u32 s9, $0xF7A;
	s5 =	simm.s32 @!p2 $0x0  }
0x1d: {  	s5 =	simm.s32 @p1 $0x1;
	p0 =	seq.s32 s7, s2  }
0x1e: {  	s7 =	smul.u32 @!p0 $0xF7A, s2;
	p2 =	seq.s32 @!p0 s5, $0x0  }
0x1f: {  	s9 =	smul.u32 $0xF7A, s1;
	s8 =	simm.s32 @!p0 $0x1BF5;
	p2 =	por !p2, p0  }
0x20: {  	[sflag:s8] =	ssyncset.s32 @!p0 $0xFFFFF086;
	s6 =	sadd.s32 @!p0 s3, s7;
	s7 =	simm.s32 @!p0 $0x108  }
0x21: {  	s3 =	sadd.s32 s3, s9;
	s6 =	sadd.s32 @!p0 $0x88, s6;
	s7 =	simm.s32 @p2 $0x1082  }
0x22: {  	[simem:s7], [sflag:s8] =	dma.local @!p0 [hbm:s6], $0xF7A  }
0x23: {  	s9 =	sor.u32 $0xD0000000, s2;
	s6 =	simm.s32 $0x108;
	_ =	swait.ge @!p0 [sflag:s8], $0x0  }
0x24: {  	s3 =	sadd.s32 $0x88, s3;
	s6 =	simm.s32 @!p1 $0x1082;
	[sflag:s4] =	ssyncset.s32 $0xFFFFF086  }
0x25: {  	[simem:s6], [sflag:s4] =	dma.local [hbm:s3], $0xF7A  }
0x26: {  	[smem:$0x3F9C] =	sst s1;
	(tag) =	ssettag s2;
	_ =	strace s9  }
0x27: {  	s1 =	sld [smem:$0x3FAC]  }
0x28: {  	s2 =	sld [smem:$0x3FAD]  }
0x29: {  	s4 =	sld [smem:$0x3FAF]  }
0x2a: {  	p0 =	seq.s32 s5, $0x0;
	s5 =	sld [smem:$0x3FB0]  }
0x2b: {  	s6 =	sld [smem:$0x3FB1]  }
0x2c: {  	s7 =	sld [smem:$0x3FB2]  }
0x2d: {  	s3 =	simm.s32 $0x108;
	s8 =	sld [smem:$0x3FB3]  }
0x2e: {  	s3 =	simm.s32 @!p0 $0x1082;
	s9 =	sld [smem:$0x3FB4]  }
0x2f: {  	lr =	sadd.s32 s0, s3;
	s0 =	sld [smem:$0x3FAB]  }
0x30: {  	s3 =	sld [smem:$0x3FAE]  }
0x31: {  	[smem:$0x3FB7] =	sst s10  }
0x32: {  	s10 =	sld [smem:$0x3FB5];
	_ =	sdelay $0x3  }
0x33: {  	p0 =	seq.s32 s10, $0x1;
	s10 =	sld [smem:$0x3FB7];
	_ =	sdelay $0x3  }
0x34: {  	[smem:$0x3FB7] =	sst s10  }
0x35: {  	s10 =	sld [smem:$0x3FB6];
	_ =	sdelay $0x3  }
0x36: {  	p1 =	seq.s32 s10, $0x1;
	s10 =	sld [smem:$0x3FB7];
	_ =	sdelay $0x3  }
0x37: {  	[smem:$0x3FB7] =	sst s10  }
0x38: {  	s10 =	sld [smem:$0x3FB8]  }
0x39: {  	_ = 	snop;
	(pc) =	sbr.ind lr, $3  }
0x3a: {  	_ = 	snop  }
0x3b: {  	_ = 	snop  }
0x3c: {  	p2 =	seq.s32 s10, $0x1;
	s10 =	sld [smem:$0x3FB7]  }
0x3d: {  	_ =	shalt  }
0x3e: {  	_ =	shalt  }
0x3f: {  	_ =	shalt  }
0x40: {  	_ =	shalt  }
0x41: {  	_ =	shalt  }
0x42: {  	_ =	shalt  }
0x43: {  	_ =	shalt  }
0x44: {  	_ =	shalt  }
0x45: {  	_ =	shalt  }
0x46: {  	_ =	shalt  }
0x47: {  	_ =	shalt  }
0x48: {  	_ =	shalt  }
0x49: {  	_ =	shalt  }
0x4a: {  	_ =	shalt  }
0x4b: {  	_ =	shalt  }
0x4c: {  	_ =	shalt  }
0x4d: {  	_ =	shalt  }
0x4e: {  	_ =	shalt  }
0x4f: {  	_ =	shalt  }
0x50: {  	_ =	shalt  }
0x51: {  	_ =	shalt  }
0x52: {  	_ =	shalt  }
0x53: {  	_ =	shalt  }
0x54: {  	_ =	shalt  }
0x55: {  	_ =	shalt  }
0x56: {  	_ =	shalt  }
0x57: {  	_ =	shalt  }
0x58: {  	_ =	shalt  }
0x59: {  	_ =	shalt  }
0x5a: {  	_ =	shalt  }
0x5b: {  	_ =	shalt  }
0x5c: {  	_ =	shalt  }
0x5d: {  	_ =	shalt  }
0x5e: {  	_ =	shalt  }
0x5f: {  	_ =	shalt  }
0x60: {  	_ =	shalt  }
0x61: {  	_ =	shalt  }
0x62: {  	_ =	shalt  }
0x63: {  	_ =	shalt  }
0x64: {  	_ =	shalt  }
0x65: {  	_ =	shalt  }
0x66: {  	_ =	shalt  }
0x67: {  	_ =	shalt  }
0x68: {  	_ =	shalt  }
0x69: {  	_ =	shalt  }
0x6a: {  	_ =	shalt  }
0x6b: {  	_ =	shalt  }
0x6c: {  	_ =	shalt  }
0x6d: {  	_ =	shalt  }
0x6e: {  	_ =	shalt  }
0x6f: {  	_ =	shalt  }
0x70: {  	_ =	shalt  }
0x71: {  	_ =	shalt  }
0x72: {  	_ =	shalt  }
0x73: {  	_ =	shalt  }
0x74: {  	_ =	shalt  }
0x75: {  	_ =	shalt  }
0x76: {  	_ =	shalt  }
0x77: {  	_ =	shalt  }
0x78: {  	_ =	shalt  }
0x79: {  	_ =	shalt  }
0x7a: {  	_ =	shalt  }
0x7b: {  	_ =	shalt  }
0x7c: {  	_ =	shalt  }
0x7d: {  	_ =	shalt  }
0x7e: {  	_ =	shalt  }
0x7f: {  	_ =	shalt  }
0x80: {  	_ =	shalt  }
0x81: {  	_ =	shalt  }
0x82: {  	_ =	shalt  }
0x83: {  	_ =	shalt  }
0x84: {  	_ =	shalt  }
0x85: {  	_ =	shalt  }
0x86: {  	_ =	shalt  }
0x87: {  	_ =	shalt  }
.Lfunc_end0:
.L_simem_size_0:
called_computation.2_lowered:
.L_overlay_start_0:
0x88: {  	s2 =	sld [smem:$0x3FD9]  }
0x89: {  	s3 =	sld [smem:$0x3FFE];
	_ =	sdelay $0x1  }
0x8a: {  	s1 =	srdreg.scid  }
0x8b: {  	s0 =	sand.u32 $0x1, s1  }
0x8c: {  	s17 =	sshll.u32 s0, $0xA;
	s2 =	sadd.s32 s3, s2  }
0x8d: {  	s2 =	sadd.s32 s2, s17  }
0x8e: {  	[smem:$0x3FC3] =	sst s2  }
0x8f: {  	_ = 	snop  }
0x90: {  	(tm) =	ssettm $0x1  }
0x91: {  	s18 =	sld [smem:$0x3FFB];
	_ =	sdelay $0x3  }
0x92: {  	_ =	strace s18  }
0x93: {  	s2 =	sld [smem:$0x3FFC];
	_ =	sdelay $0x3  }
0x94: {  	_ =	strace s2  }
0x95: {  	s2 =	sld [smem:$0x3FFD];
	_ =	sdelay $0x3  }
0x96: {  	_ =	strace s2  }
0x97: {  	_ =	strace $0x8FFFFFFF  }
0x98: {  	s19 =	sld [smem:$0x3FDB];
	_ =	sdelay $0x1  }
0x99: {  	s20 =	simm.s32 $_scs_section_size  }
0x9a: {  	s4 =	simm.s32 $_size__tile_overlayer_lowered;
	s5 =	simm.s32 $_tile_overlayer_lowered  }
0x9b: {  	s6 =	simm.s32 $0x1BFF;
	s21 =	sshll.u32 s5, $0x1;
	s3 =	sadd.s32 s20, s19  }
0x9c: {  	s22 =	simm.s32 $0x0;
	s4 =	sshll.u32 s4, $0x1;
	s5 =	sadd.s32 s21, s3  }
0x9d: {  	[timem:s22], [sflag:s6] =	dma.local [hbm:s5], s4  }
0x9e: {  	_ =	swait.ge [sflag:s6], s4  }
0x9f: {  	s4 =	ssub.s32 $0x0, s4;
	[sflag:s6] =	ssyncset.done $0x0  }
0xa0: {  	[sflag:s6] =	ssyncadd.s32 s4;
	_ =	sdelay $0x1  }
0xa1: {  	s23 =	simm.s32 $0x1B8B  }
0xa2: {  	_ =	swait.ge [sflag:s23], $0x1  }
0xa3: {  	[sflag:s23] =	ssyncset.done $0x0  }
0xa4: {  	[sflag:s23] =	ssyncadd.s32 $0xFFFFFFFF  }
0xa5: {  	s4 =	sld [smem:$0x0]  }
0xa6: {  	s5 =	sand.u32 $0xFFFFFFFE, s1  }
0xa7: {  	p0 =	sne.s32 s1, s5  }
0xa8: {  	s5 =	sshll.u32 @p0 s5, $0xE  }
0xa9: {  	s5 =	sadd.s32 @p0 $0x11B8D, s5;
	s6 =	sshll.u32 @p0 s4, $0x11  }
0xaa: {  	s5 =	sor.u32 @p0 s6, s5  }
0xab: {  	[sflag:s5] =	ssyncadd.remote.s32 @p0 $0x1;
	_ =	sdelay $0x1  }
0xac: {  	s5 =	simm.s32 @p0 $0x1B8D  }
0xad: {  	_ =	swait.eq @p0 [sflag:s5], $0x1  }
0xae: {  	[sflag:s5] =	ssyncadd.s32 @p0 $0xFFFFFFFF  }
0xaf: {  	s6 =	sshll.u32 @!p0 s1, $0xE  }
0xb0: {  	s6 =	sor.u32 @!p0 $0x4000, s6;
	s5 =	simm.s32 @!p0 $0x1B8D  }
0xb1: {  	s4 =	sshll.u32 @!p0 s4, $0x11;
	s6 =	sadd.s32 @!p0 $0x11B8D, s6;
	_ =	swait.eq @!p0 [sflag:s5], $0x1  }
0xb2: {  	s4 =	sor.u32 @!p0 s4, s6;
	[sflag:s5] =	ssyncadd.s32 @!p0 $0xFFFFFFFF  }
0xb3: {  	s25 =	simm.s32 $0x1B8E;
	s24 =	sld [smem:$0x3FFE];
	[sflag:s4] =	ssyncadd.remote.s32 @!p0 $0x1  }
0xb4: {  	s26 =	simm.s32 $execute0_lowered;
	[smem:$0x3FD2] =	sst s25  }
0xb5: {  	s5 =	sshll.u32 s26, $0x1;
	_ =	strace $0x8000004C;
	[dreg:$0x1] =	wrdreg $0xFFFFFFFF  }
0xb6: {  	s28 =	simm.s32 $_size_execute0_lowered;
	s3 =	sadd.s32 s3, s5;
	[dreg:$0x0] =	wrdreg $0x0  }
0xb7: {  	s5 =	sshll.u32 s28, $0x1;
	[dreg:$0x2] =	wrdreg s3  }
0xb8: {  	[dreg:$0x3] =	wrdreg s5  }
0xb9: {  	[dreg:$0x4] =	wrdreg $0xC0  }
0xba: {  	_ =	task [dreg:s22], $0x5FFFF  }
0xbb: {  	[dreg:$0x1] =	wrdreg $0xFFFFFFFF  }
0xbc: {  	[dreg:$0x0] =	wrdreg $0x60  }
0xbd: {  	[dreg:$0x2] =	wrdreg s24  }
0xbe: {  	[dreg:$0x3] =	wrdreg $0xB  }
0xbf: {  	_ =	task.clear_ibuf [dreg:s22], $0x4FFFF;
	_ =	strace $0x9000004C  }
0xc0: {  	s29 =	simm.s32 $0xB;
	_ =	strace $0x8000004E  }
0xc1: {  	_ =	swait.ge [sflag:s29], $0x1  }
0xc2: {  	[sflag:s29] =	ssyncadd.s32 $0xFFFFFFFF  }
0xc3: {  	_ =	strace $0x9000004E  }
0xc4: {  	_ =	sfence  }
0xc5: {  	s30 =	sld [smem:$0x0];
	_ =	sdelay $0x2  }
0xc6: {  	s31 =	sshll.u32 s1, $0xD;
	s1 =	sshrl.u32 s1, $0x2  }
0xc7: {  	s4 =	sand.u32 $0x4000, s31;
	s1 =	sadd.s32 s1, s30  }
0xc8: {  	s0 =	sor.u32 s4, s0;
	s1 =	sshll.u32 s1, $0x11  }
0xc9: {  	s0 =	sor.u32 s1, s0  }
0xca: {  	s0 =	sadd.s32 $0x8F2B, s0  }
0xcb: {  	[sflag:s0] =	ssyncadd.remote.s32 $0x1  }
0xcc: {  	_ =	sfence.sel $0xFFFF  }
0xcd: {  	[dreg:$0x0] =	wrdreg $0xFFFFFFFF;
	(pc) =	sbr.abs _section_cstart, $3  }
0xce: {  	[dreg:$0x1] =	wrdreg $0xFFFFFFFF  }
0xcf: {  	_ =	task.clear_ibuf [dreg:s22], $0x2FFFF;
	_ =	strace $0x9FFFFFFF  }
0xd0: {  	(tm) =	ssettm $0x7FFFFFFF  }
0xd1: {  	_ =	shalt  }
tec
execute0_lowered:
.L_overlay_start_1:
0x0: {  	(tag) =	ssettag $0x1  }
0x1: {  	s0 =	srdreg.scid;
	s2 =	stileid.u32  }
0x2: {  	s1 =	rddreg [dreg:$0x0];
	s11 =	simm.s32 $0x3;
	s13 =	simm.s32 $0x300  }
0x3: {  	s14 =	simm.s32 $0xB00;
	s15 =	simm.s32 $0x1300;
	s16 =	simm.s32 $0x1B00  }
0x4: {  	s17 =	simm.s32 $0x2300;
	s18 =	simm.s32 $0x2B00;
	s19 =	simm.s32 $0x3300  }
0x5: {  	s20 =	simm.s32 $0x3B00;
	s21 =	simm.s32 $0x4300;
	s22 =	simm.s32 $0x4B00  }
0x6: {  	s23 =	simm.s32 $0x5300;
	s24 =	simm.s32 $0x5B00;
	s28 =	simm.s32 $0x7300  }
0x7: {  	s29 =	simm.s32 $0x7B00;
	s30 =	simm.s32 $0x1;
	s31 =	simm.s32 $0x2  }
0x8: {  	s0 =	sand.u32 $0x1, s0;
	s3 =	sshll.u32 s2, $0x9;
	s2 =	simm.s32 $0x0  }
0x9: {  	s4 =	sshll.u32 s0, $0x8;
	[smem:$0x7FF] =	sst s2;
	s0 =	ssub.s32 $0x2, s0  }
0xa: {  	s4 =	sor.u32 s4, s3;
	_ =	strace $0x8000004D;
	s6 =	sshrl.u32 s0, $0x1  }
0xb: {  	s3 =	sshrl.u32 s4, $0x3;
	s4 =	sshll.u32 s4, $0x5;
	s0 =	ssub.s32 s0, s6  }
0xc: {  	s5 =	sadd.s32 s3, s1;
	s3 =	sadd.s32 $0x2800, s1;
	s1 =	sadd.s32 s4, s1  }
0xd: {  	s10 =	smax.u32 s0, $0x1;
	s25 =	sadd.s32 $0x2400, s5;
	s26 =	sadd.s32 $0x1C00, s5  }
0xe: {  	v2 =	vlaneseq.u32;
	s6 =	sadd.s32 $0x73C00, s1;
	s7 =	sadd.s32 $0x74400, s1;
	s8 =	sadd.s32 $0x74C00, s1  }
0xf: {  	vm0 =	vmmov $0xffff;
	v1 =	vshrl.u32 v2, $0x3;
	s9 =	sadd.s32 $0x75400, s1;
	s1 =	simm.s32 $0x0;
	[dreg:$0x2] =	wrdreg s25  }
0x10: {  	v0 =	vand.u32 $0x7, v2;
	v2 =	vor.u32 $0x8, v2;
	v1 =	vmul.u32 $0x8, v1;
	[dreg:$0x3] =	wrdreg s26;
	s25 =	simm.s32 $0x6300;
	s26 =	simm.s32 $0x6B00  }
.LBB2_1:
0x11: {  	s0 =	rddreg [dreg:$0x2]  }
0x12: {  	[tilespmem:s2], [sflag:$0x3] =	stream.linear.gather [hbm4b:s0+s2], $0x100, $0x38;
	[tilespmem:$0x8300] =	vst v63  }
0x13: {  	_ =	swait.ge [sflag:s11], $0x100  }
0x14: {  	[sflag:s11] =	ssyncset.done $0x0  }
0x15: {  	s4 =	simm.s32 $0x100;
	s12 =	rddreg [dreg:$0x3];
	[sflag:s11] =	ssyncadd.s32 $0xFFFFFF00  }
0x16: {  	[tilespmem:s4], [sflag:$0x3] =	stream.linear.gather [hbm4b:s12+s2], $0x100, $0x38;
	[tilespmem:$0x8300] =	vst v63  }
0x17: {  	_ =	swait.ge [sflag:s11], $0x100  }
0x18: {  	[sflag:s11] =	ssyncset.done $0x0  }
0x19: {  	s0 =	simm.s32 $0x0;
	[sflag:s11] =	ssyncadd.s32 $0xFFFFFF00  }
0x1a: {  	v3 =	vld [tilespmem:s0+$0x0];
	_ =	sdelay $0x2  }
0x1b: {  	v4 =	vld [tilespmem:s0+$0x100];
	_ =	sdelay $0x1  }
0x1c: {  	v3 =	vmul.f32 $9.900000000e+01, v3;
	_ =	sdelay $0x1  }
0x1d: {  	s12 =	simm.s32 $0x10;
	v3 =	vtrunc.f32 v3  }
0x1e: {  	v4 =	vmul.f32 $9.900000000e+01, v4;
	v6 =	vcvt.f32.s32 v3;
	v3 =	vld [tilespmem:s12+$0x0];
	_ =	sdelay $0x1  }
0x1f: {  	v5 =	vtrunc.f32 v4;
	v4 =	vld [tilespmem:s12+$0x100];
	_ =	sdelay $0x1  }
0x20: {  	s4 =	simm.s32 $0x80;
	v5 =	vcvt.f32.s32 v5;
	v6 =	vmul.u32 $0x68, v6  }
.LBB2_2:
0x21: {  	s5 =	sshra.s32 s4, $0x2;
	p0 =	sne.s32 s4, $0x3C0;
	s4 =	sadd.s32 $0x40, s4;
	v7 =	vmul.f32 $9.900000000e+01, v3  }
.Ltmp0:
0x22: {  	v3 =	vld [tilespmem:s5+$0x0];
	v5 =	vadd.s32 v5, v6;
	(pc) =	sbr.rel @p0 .LBB2_2-.Ltmp0, $4  }
0x23: {  	v6 =	vtrunc.f32 v7;
	v7 =	vmul.f32 $9.900000000e+01, v4;
	[tilespmem:s0+$0x200] =	vst v5;
	s0 =	smov.u32 s12;
	s12 =	smov.u32 s5  }
0x24: {  	v4 =	vld [tilespmem:s12+$0x100];
	v6 =	vcvt.f32.s32 v6  }
0x25: {  	v5 =	vtrunc.f32 v7  }
0x26: {  	v5 =	vcvt.f32.s32 v5;
	v6 =	vmul.u32 $0x68, v6  }
0x27: {  	v3 =	vmul.f32 $9.900000000e+01, v3;
	_ =	sdelay $0x1  }
0x28: {  	v3 =	vtrunc.f32 v3;
	v4 =	vmul.f32 $9.900000000e+01, v4  }
0x29: {  	v3 =	vcvt.f32.s32 v3  }
0x2a: {  	v4 =	vtrunc.f32 v4  }
0x2b: {  	v4 =	vcvt.f32.s32 v4;
	v3 =	vmul.u32 $0x68, v3  }
0x2c: {  	v5 =	vadd.s32 v5, v6  }
0x2d: {  	[tilespmem:s0+$0x200] =	vst v5;
	v3 =	vadd.s32 v4, v3  }
0x2e: {  	[tilespmem:s12+$0x200] =	vst v3  }
0x2f: {  	v3 =	vld [tilespmem:$0x200];
	_ =	sdelay $0x4  }
0x30: {  	v48 =	vshll.u32 v3, $0x1  }
0x31: {  	v3 =	vand.u32 $0x7, v3;
	v4 =	vand.u32 $0xFFFFFFF0, v48  }
0x32: {  	v3 =	vor.u32 v3, v4  }
0x33: {  	v4 =	vperm.xlane v3, v0;
	_ =	sdelay $0x1  }
0x34: {  	v3 =	vperm.xlane v3, v2;
	v4 =	vadd.s32 v1, v4;
	_ =	sdelay $0x1  }
0x35: {  	v3 =	vadd.s32 v1, v3;
	_ =	sdelay $0x2  }
0x36: {  	[tilespmem:s13], [sflag:$0x1] =	stream.indirect_vreg.gather [hbm4b:s3+s2], $0x80, v4, vm0, $0xb8;
	[tilespmem:$0x8300] =	vst v63  }
0x37: {  	_ = 	snop  }
0x38: {  	[tilespmem:s14], [sflag:$0x1] =	stream.indirect_vreg.gather [hbm4b:s3+s2], $0x80, v3, vm0, $0xb8;
	[tilespmem:$0x8300] =	vst v63  }
0x39: {  	v3 =	vld [tilespmem:$0x210];
	_ =	sdelay $0x4  }
0x3a: {  	v49 =	vshll.u32 v3, $0x1  }
0x3b: {  	v3 =	vand.u32 $0x7, v3;
	v4 =	vand.u32 $0xFFFFFFF0, v49  }
0x3c: {  	v3 =	vor.u32 v3, v4  }
0x3d: {  	v4 =	vperm.xlane v3, v0;
	_ =	sdelay $0x1  }
0x3e: {  	v3 =	vperm.xlane v3, v2;
	v4 =	vadd.s32 v1, v4;
	_ =	sdelay $0x1  }
0x3f: {  	v3 =	vadd.s32 v1, v3;
	_ =	sdelay $0x2  }
0x40: {  	[tilespmem:s15], [sflag:$0x1] =	stream.indirect_vreg.gather [hbm4b:s3+s2], $0x80, v4, vm0, $0xb8;
	[tilespmem:$0x8300] =	vst v63  }
0x41: {  	_ = 	snop  }
0x42: {  	[tilespmem:s16], [sflag:$0x1] =	stream.indirect_vreg.gather [hbm4b:s3+s2], $0x80, v3, vm0, $0xb8;
	[tilespmem:$0x8300] =	vst v63  }
0x43: {  	v3 =	vld [tilespmem:$0x220];
	_ =	sdelay $0x4  }
0x44: {  	v50 =	vshll.u32 v3, $0x1  }
0x45: {  	v3 =	vand.u32 $0x7, v3;
	v4 =	vand.u32 $0xFFFFFFF0, v50  }
0x46: {  	v3 =	vor.u32 v3, v4  }
0x47: {  	v4 =	vperm.xlane v3, v0;
	_ =	sdelay $0x1  }
0x48: {  	v3 =	vperm.xlane v3, v2;
	v4 =	vadd.s32 v1, v4;
	_ =	sdelay $0x1  }
0x49: {  	v3 =	vadd.s32 v1, v3;
	_ =	sdelay $0x2  }
0x4a: {  	[tilespmem:s17], [sflag:$0x1] =	stream.indirect_vreg.gather [hbm4b:s3+s2], $0x80, v4, vm0, $0xb8;
	[tilespmem:$0x8300] =	vst v63  }
0x4b: {  	_ = 	snop  }
0x4c: {  	[tilespmem:s18], [sflag:$0x1] =	stream.indirect_vreg.gather [hbm4b:s3+s2], $0x80, v3, vm0, $0xb8;
	[tilespmem:$0x8300] =	vst v63  }
0x4d: {  	v3 =	vld [tilespmem:$0x230];
	_ =	sdelay $0x4  }
0x4e: {  	v51 =	vshll.u32 v3, $0x1  }
0x4f: {  	v3 =	vand.u32 $0x7, v3;
	v4 =	vand.u32 $0xFFFFFFF0, v51  }
0x50: {  	v3 =	vor.u32 v3, v4  }
0x51: {  	v4 =	vperm.xlane v3, v0;
	_ =	sdelay $0x1  }
0x52: {  	v3 =	vperm.xlane v3, v2;
	v4 =	vadd.s32 v1, v4;
	_ =	sdelay $0x1  }
0x53: {  	v3 =	vadd.s32 v1, v3;
	_ =	sdelay $0x2  }
0x54: {  	[tilespmem:s19], [sflag:$0x1] =	stream.indirect_vreg.gather [hbm4b:s3+s2], $0x80, v4, vm0, $0xb8;
	[tilespmem:$0x8300] =	vst v63  }
0x55: {  	_ = 	snop  }
0x56: {  	[tilespmem:s20], [sflag:$0x1] =	stream.indirect_vreg.gather [hbm4b:s3+s2], $0x80, v3, vm0, $0xb8;
	[tilespmem:$0x8300] =	vst v63  }
0x57: {  	v3 =	vld [tilespmem:$0x240];
	_ =	sdelay $0x4  }
0x58: {  	v52 =	vshll.u32 v3, $0x1  }
0x59: {  	v3 =	vand.u32 $0x7, v3;
	v4 =	vand.u32 $0xFFFFFFF0, v52  }
0x5a: {  	v3 =	vor.u32 v3, v4  }
0x5b: {  	v4 =	vperm.xlane v3, v0;
	_ =	sdelay $0x1  }
0x5c: {  	v3 =	vperm.xlane v3, v2;
	v4 =	vadd.s32 v1, v4;
	_ =	sdelay $0x1  }
0x5d: {  	v3 =	vadd.s32 v1, v3;
	_ =	sdelay $0x2  }
0x5e: {  	[tilespmem:s21], [sflag:$0x2] =	stream.indirect_vreg.gather [hbm4b:s3+s2], $0x80, v4, vm0, $0xb8;
	[tilespmem:$0x8300] =	vst v63  }
0x5f: {  	_ = 	snop  }
0x60: {  	[tilespmem:s22], [sflag:$0x2] =	stream.indirect_vreg.gather [hbm4b:s3+s2], $0x80, v3, vm0, $0xb8;
	[tilespmem:$0x8300] =	vst v63  }
0x61: {  	v3 =	vld [tilespmem:$0x250];
	_ =	sdelay $0x4  }
0x62: {  	v53 =	vshll.u32 v3, $0x1  }
0x63: {  	v3 =	vand.u32 $0x7, v3;
	v4 =	vand.u32 $0xFFFFFFF0, v53  }
0x64: {  	v3 =	vor.u32 v3, v4  }
0x65: {  	v4 =	vperm.xlane v3, v0;
	_ =	sdelay $0x1  }
0x66: {  	v3 =	vperm.xlane v3, v2;
	v4 =	vadd.s32 v1, v4;
	_ =	sdelay $0x1  }
0x67: {  	v3 =	vadd.s32 v1, v3;
	_ =	sdelay $0x2  }
0x68: {  	[tilespmem:s23], [sflag:$0x2] =	stream.indirect_vreg.gather [hbm4b:s3+s2], $0x80, v4, vm0, $0xb8;
	[tilespmem:$0x8300] =	vst v63  }
0x69: {  	_ = 	snop  }
0x6a: {  	[tilespmem:s24], [sflag:$0x2] =	stream.indirect_vreg.gather [hbm4b:s3+s2], $0x80, v3, vm0, $0xb8;
	[tilespmem:$0x8300] =	vst v63  }
0x6b: {  	v3 =	vld [tilespmem:$0x260];
	_ =	sdelay $0x4  }
0x6c: {  	v54 =	vshll.u32 v3, $0x1  }
0x6d: {  	v3 =	vand.u32 $0x7, v3;
	v4 =	vand.u32 $0xFFFFFFF0, v54  }
0x6e: {  	v3 =	vor.u32 v3, v4  }
0x6f: {  	v4 =	vperm.xlane v3, v0;
	_ =	sdelay $0x1  }
0x70: {  	v3 =	vperm.xlane v3, v2;
	v4 =	vadd.s32 v1, v4;
	_ =	sdelay $0x1  }
0x71: {  	v3 =	vadd.s32 v1, v3;
	_ =	sdelay $0x2  }
0x72: {  	[tilespmem:s25], [sflag:$0x2] =	stream.indirect_vreg.gather [hbm4b:s3+s2], $0x80, v4, vm0, $0xb8;
	[tilespmem:$0x8300] =	vst v63  }
0x73: {  	_ = 	snop  }
0x74: {  	[tilespmem:s26], [sflag:$0x2] =	stream.indirect_vreg.gather [hbm4b:s3+s2], $0x80, v3, vm0, $0xb8;
	[tilespmem:$0x8300] =	vst v63  }
0x75: {  	v3 =	vld [tilespmem:$0x270];
	_ =	sdelay $0x4  }
0x76: {  	v55 =	vshll.u32 v3, $0x1  }
0x77: {  	v3 =	vand.u32 $0x7, v3;
	v4 =	vand.u32 $0xFFFFFFF0, v55  }
0x78: {  	v3 =	vor.u32 v3, v4  }
0x79: {  	v4 =	vperm.xlane v3, v0;
	_ =	sdelay $0x1  }
0x7a: {  	v3 =	vperm.xlane v3, v2;
	v4 =	vadd.s32 v1, v4;
	_ =	sdelay $0x1  }
0x7b: {  	v3 =	vadd.s32 v1, v3;
	_ =	sdelay $0x2  }
0x7c: {  	[tilespmem:s28], [sflag:$0x2] =	stream.indirect_vreg.gather [hbm4b:s3+s2], $0x80, v4, vm0, $0xb8;
	[tilespmem:$0x8300] =	vst v63  }
0x7d: {  	_ = 	snop  }
0x7e: {  	[tilespmem:s29], [sflag:$0x2] =	stream.indirect_vreg.gather [hbm4b:s3+s2], $0x80, v3, vm0, $0xb8;
	[tilespmem:$0x8300] =	vst v63  }
0x7f: {  	_ =	swait.ge [sflag:s30], $0x4000  }
0x80: {  	[sflag:s30] =	ssyncset.done $0x0  }
0x81: {  	[sflag:s30] =	ssyncadd.s32 $0xFFFFC000  }
0x82: {  	[hbm4b:s6+s2] =	stream.linear.scatter [tilespmem:s13], [sflag:$0x3], $0x4000, $0x38;
	[tilespmem:$0x8300] =	vst v63  }
0x83: {  	_ =	swait.ge [sflag:s11], $0x4000  }
0x84: {  	[sflag:s11] =	ssyncset.done $0x0  }
0x85: {  	[sflag:s11] =	ssyncadd.s32 $0xFFFFC000  }
0x86: {  	v3 =	vld [tilespmem:$0x280];
	_ =	sdelay $0x4  }
0x87: {  	v56 =	vshll.u32 v3, $0x1  }
0x88: {  	v3 =	vand.u32 $0x7, v3;
	v4 =	vand.u32 $0xFFFFFFF0, v56  }
0x89: {  	v3 =	vor.u32 v3, v4  }
0x8a: {  	v4 =	vperm.xlane v3, v0;
	_ =	sdelay $0x1  }
0x8b: {  	v3 =	vperm.xlane v3, v2;
	v4 =	vadd.s32 v1, v4;
	_ =	sdelay $0x1  }
0x8c: {  	v3 =	vadd.s32 v1, v3;
	_ =	sdelay $0x2  }
0x8d: {  	[tilespmem:s13], [sflag:$0x1] =	stream.indirect_vreg.gather [hbm4b:s3+s2], $0x80, v4, vm0, $0xb8;
	[tilespmem:$0x8300] =	vst v63  }
0x8e: {  	_ = 	snop  }
0x8f: {  	[tilespmem:s14], [sflag:$0x1] =	stream.indirect_vreg.gather [hbm4b:s3+s2], $0x80, v3, vm0, $0xb8;
	[tilespmem:$0x8300] =	vst v63  }
0x90: {  	v3 =	vld [tilespmem:$0x290];
	_ =	sdelay $0x4  }
0x91: {  	v57 =	vshll.u32 v3, $0x1  }
0x92: {  	v3 =	vand.u32 $0x7, v3;
	v4 =	vand.u32 $0xFFFFFFF0, v57  }
0x93: {  	v3 =	vor.u32 v3, v4  }
0x94: {  	v4 =	vperm.xlane v3, v0;
	_ =	sdelay $0x1  }
0x95: {  	v3 =	vperm.xlane v3, v2;
	v4 =	vadd.s32 v1, v4;
	_ =	sdelay $0x1  }
0x96: {  	v3 =	vadd.s32 v1, v3;
	_ =	sdelay $0x2  }
0x97: {  	[tilespmem:s15], [sflag:$0x1] =	stream.indirect_vreg.gather [hbm4b:s3+s2], $0x80, v4, vm0, $0xb8;
	[tilespmem:$0x8300] =	vst v63  }
0x98: {  	_ = 	snop  }
0x99: {  	[tilespmem:s16], [sflag:$0x1] =	stream.indirect_vreg.gather [hbm4b:s3+s2], $0x80, v3, vm0, $0xb8;
	[tilespmem:$0x8300] =	vst v63  }
0x9a: {  	v3 =	vld [tilespmem:$0x2A0];
	_ =	sdelay $0x4  }
0x9b: {  	v58 =	vshll.u32 v3, $0x1  }
0x9c: {  	v3 =	vand.u32 $0x7, v3;
	v4 =	vand.u32 $0xFFFFFFF0, v58  }
0x9d: {  	v3 =	vor.u32 v3, v4  }
0x9e: {  	v4 =	vperm.xlane v3, v0;
	_ =	sdelay $0x1  }
0x9f: {  	v3 =	vperm.xlane v3, v2;
	v4 =	vadd.s32 v1, v4;
	_ =	sdelay $0x1  }
0xa0: {  	v3 =	vadd.s32 v1, v3;
	_ =	sdelay $0x2  }
0xa1: {  	[tilespmem:s17], [sflag:$0x1] =	stream.indirect_vreg.gather [hbm4b:s3+s2], $0x80, v4, vm0, $0xb8;
	[tilespmem:$0x8300] =	vst v63  }
0xa2: {  	_ = 	snop  }
0xa3: {  	[tilespmem:s18], [sflag:$0x1] =	stream.indirect_vreg.gather [hbm4b:s3+s2], $0x80, v3, vm0, $0xb8;
	[tilespmem:$0x8300] =	vst v63  }
0xa4: {  	v3 =	vld [tilespmem:$0x2B0];
	_ =	sdelay $0x4  }
0xa5: {  	v59 =	vshll.u32 v3, $0x1  }
0xa6: {  	v3 =	vand.u32 $0x7, v3;
	v4 =	vand.u32 $0xFFFFFFF0, v59  }
0xa7: {  	v3 =	vor.u32 v3, v4  }
0xa8: {  	v4 =	vperm.xlane v3, v0;
	_ =	sdelay $0x1  }
0xa9: {  	v3 =	vperm.xlane v3, v2;
	v4 =	vadd.s32 v1, v4;
	_ =	sdelay $0x1  }
0xaa: {  	v3 =	vadd.s32 v1, v3;
	_ =	sdelay $0x2  }
0xab: {  	[tilespmem:s19], [sflag:$0x1] =	stream.indirect_vreg.gather [hbm4b:s3+s2], $0x80, v4, vm0, $0xb8;
	[tilespmem:$0x8300] =	vst v63  }
0xac: {  	_ = 	snop  }
0xad: {  	[tilespmem:s20], [sflag:$0x1] =	stream.indirect_vreg.gather [hbm4b:s3+s2], $0x80, v3, vm0, $0xb8;
	[tilespmem:$0x8300] =	vst v63  }
0xae: {  	_ =	swait.ge [sflag:s31], $0x4000  }
0xaf: {  	[sflag:s31] =	ssyncset.done $0x0  }
0xb0: {  	[sflag:s31] =	ssyncadd.s32 $0xFFFFC000  }
0xb1: {  	[hbm4b:s7+s2] =	stream.linear.scatter [tilespmem:s21], [sflag:$0x3], $0x4000, $0x38;
	[tilespmem:$0x8300] =	vst v63  }
0xb2: {  	_ =	swait.ge [sflag:s11], $0x4000  }
0xb3: {  	[sflag:s11] =	ssyncset.done $0x0  }
0xb4: {  	[sflag:s11] =	ssyncadd.s32 $0xFFFFC000  }
0xb5: {  	v3 =	vld [tilespmem:$0x2C0];
	_ =	sdelay $0x4  }
0xb6: {  	v60 =	vshll.u32 v3, $0x1  }
0xb7: {  	v3 =	vand.u32 $0x7, v3;
	v4 =	vand.u32 $0xFFFFFFF0, v60  }
0xb8: {  	v3 =	vor.u32 v3, v4  }
0xb9: {  	v4 =	vperm.xlane v3, v0;
	_ =	sdelay $0x1  }
0xba: {  	v3 =	vperm.xlane v3, v2;
	v4 =	vadd.s32 v1, v4;
	_ =	sdelay $0x1  }
0xbb: {  	v3 =	vadd.s32 v1, v3;
	_ =	sdelay $0x2  }
0xbc: {  	[tilespmem:s21], [sflag:$0x2] =	stream.indirect_vreg.gather [hbm4b:s3+s2], $0x80, v4, vm0, $0xb8;
	[tilespmem:$0x8300] =	vst v63  }
0xbd: {  	_ = 	snop  }
0xbe: {  	[tilespmem:s22], [sflag:$0x2] =	stream.indirect_vreg.gather [hbm4b:s3+s2], $0x80, v3, vm0, $0xb8;
	[tilespmem:$0x8300] =	vst v63  }
0xbf: {  	v3 =	vld [tilespmem:$0x2D0];
	_ =	sdelay $0x4  }
0xc0: {  	v61 =	vshll.u32 v3, $0x1  }
0xc1: {  	v3 =	vand.u32 $0x7, v3;
	v4 =	vand.u32 $0xFFFFFFF0, v61  }
0xc2: {  	v3 =	vor.u32 v3, v4  }
0xc3: {  	v4 =	vperm.xlane v3, v0;
	_ =	sdelay $0x1  }
0xc4: {  	v3 =	vperm.xlane v3, v2;
	v4 =	vadd.s32 v1, v4;
	_ =	sdelay $0x1  }
0xc5: {  	v3 =	vadd.s32 v1, v3;
	_ =	sdelay $0x2  }
0xc6: {  	[tilespmem:s23], [sflag:$0x2] =	stream.indirect_vreg.gather [hbm4b:s3+s2], $0x80, v4, vm0, $0xb8;
	[tilespmem:$0x8300] =	vst v63  }
0xc7: {  	_ = 	snop  }
0xc8: {  	[tilespmem:s24], [sflag:$0x2] =	stream.indirect_vreg.gather [hbm4b:s3+s2], $0x80, v3, vm0, $0xb8;
	[tilespmem:$0x8300] =	vst v63  }
0xc9: {  	v3 =	vld [tilespmem:$0x2E0];
	_ =	sdelay $0x4  }
0xca: {  	v62 =	vshll.u32 v3, $0x1  }
0xcb: {  	v3 =	vand.u32 $0x7, v3;
	v4 =	vand.u32 $0xFFFFFFF0, v62  }
0xcc: {  	v3 =	vor.u32 v3, v4  }
0xcd: {  	v4 =	vperm.xlane v3, v0;
	_ =	sdelay $0x1  }
0xce: {  	v3 =	vperm.xlane v3, v2;
	v4 =	vadd.s32 v1, v4;
	_ =	sdelay $0x1  }
0xcf: {  	v3 =	vadd.s32 v1, v3;
	_ =	sdelay $0x2  }
0xd0: {  	[tilespmem:s25], [sflag:$0x2] =	stream.indirect_vreg.gather [hbm4b:s3+s2], $0x80, v4, vm0, $0xb8;
	[tilespmem:$0x8300] =	vst v63  }
0xd1: {  	_ = 	snop  }
0xd2: {  	[tilespmem:s26], [sflag:$0x2] =	stream.indirect_vreg.gather [hbm4b:s3+s2], $0x80, v3, vm0, $0xb8;
	[tilespmem:$0x8300] =	vst v63  }
0xd3: {  	v3 =	vld [tilespmem:$0x2F0];
	_ =	sdelay $0x4  }
0xd4: {  	v63 =	vshll.u32 v3, $0x1  }
0xd5: {  	v3 =	vand.u32 $0x7, v3;
	v4 =	vand.u32 $0xFFFFFFF0, v63  }
0xd6: {  	v3 =	vor.u32 v3, v4  }
0xd7: {  	v4 =	vperm.xlane v3, v0;
	_ =	sdelay $0x1  }
0xd8: {  	v3 =	vperm.xlane v3, v2;
	v4 =	vadd.s32 v1, v4;
	_ =	sdelay $0x1  }
0xd9: {  	v3 =	vadd.s32 v1, v3;
	_ =	sdelay $0x2  }
0xda: {  	[tilespmem:s28], [sflag:$0x2] =	stream.indirect_vreg.gather [hbm4b:s3+s2], $0x80, v4, vm0, $0xb8;
	[tilespmem:$0x8300] =	vst v63  }
0xdb: {  	_ = 	snop  }
0xdc: {  	[tilespmem:s29], [sflag:$0x2] =	stream.indirect_vreg.gather [hbm4b:s3+s2], $0x80, v3, vm0, $0xb8;
	[tilespmem:$0x8300] =	vst v63  }
0xdd: {  	_ =	swait.ge [sflag:s30], $0x4000  }
0xde: {  	[sflag:s30] =	ssyncset.done $0x0  }
0xdf: {  	[sflag:s30] =	ssyncadd.s32 $0xFFFFC000  }
0xe0: {  	[hbm4b:s8+s2] =	stream.linear.scatter [tilespmem:s13], [sflag:$0x3], $0x4000, $0x38;
	[tilespmem:$0x8300] =	vst v63  }
0xe1: {  	_ =	swait.ge [sflag:s11], $0x4000  }
0xe2: {  	[sflag:s11] =	ssyncset.done $0x0  }
0xe3: {  	[sflag:s11] =	ssyncadd.s32 $0xFFFFC000  }
0xe4: {  	s1 =	sadd.s32 $0x1, s1;
	_ =	swait.ge [sflag:s31], $0x4000  }
0xe5: {  	p0 =	sne.s32 s1, s10;
	[sflag:s31] =	ssyncset.done $0x0  }
.Ltmp1:
0xe6: {  	[sflag:s31] =	ssyncadd.s32 $0xFFFFC000;
	(pc) =	sbr.rel @p0 .LBB2_1-.Ltmp1, $4  }
0xe7: {  	[hbm4b:s9+s2] =	stream.linear.scatter [tilespmem:s21], [sflag:$0x3], $0x4000, $0x38;
	[tilespmem:$0x8300] =	vst v63  }
0xe8: {  	_ =	swait.ge [sflag:s11], $0x4000  }
0xe9: {  	[sflag:s11] =	ssyncset.done $0x0  }
0xea: {  	[sflag:s11] =	ssyncadd.s32 $0xFFFFC000  }
0xeb: {  	_ =	sfence.sel $0x180000  }
0xec: {  	[bflag:$0x0] =	sbarrier.arrive $0xFFFF  }
0xed: {  	_ =	strace $0x9000004D  }
0xee: {  	s0 =	stileid.u32;
	[bflag:$0x2] =	sbarrier.arrive $0xFFFF  }
0xef: {  	p0 =	sne.s32 s0, $0x0;
	s0 =	rddreg [dreg:$0x1]  }
0xf0: {  	s0 =	sadd.s32 @!p0 $0x100000, s0  }
0xf1: {  	[sflag:s0] =	ssyncadd.tile.s32 @!p0 $0x1;
	_ =	shalt  }
.Lfunc_end2:
_tile_overlayer_lowered:
.L_overlay_start_2:
0xf2: {  	(tag) =	ssettag $0x2  }
0xf3: {  	s0 =	rddreg [dreg:$0x0];
	s2 =	stileid.u32  }
0xf4: {  	s1 =	rddreg [dreg:$0x1];
	p0 =	sne.s32 s2, $0x0  }
0xf5: {  	s3 =	rddreg [dreg:$0x2];
	[bflag:$0x3] =	sbarrier.arrive $0xFFFF;
	s2 =	simm.s32 @!p0 $0x1C03  }
0xf6: {  	[timem:s3], [sflag:s2] =	dma.local @!p0 [hbm:s0], s1  }
0xf7: {  	s0 =	simm.s32 @!p0 $0x3  }
0xf8: {  	_ =	swait.ge @!p0 [sflag:s0], s1  }
0xf9: {  	s1 =	ssub.s32 @!p0 $0x0, s1;
	[sflag:s0] =	ssyncset.done @!p0 $0x0  }
0xfa: {  	[sflag:s0] =	ssyncadd.s32 @!p0 s1  }
0xfb: {  	[bflag:$0x3] =	sbarrier.arrive $0xFFFF  }
0xfc: {  	_ =	shalt  }

// kernel: kernel.9.cloned.1.call-start
scs
__scs_entry_jumppad:
0x0: {  	(pc) =	sbr.rel $0x88, $3  }
0x1: {  	(tag) =	ssettag $0x0;
	lr =	simm.s32 $0x1  }
0x2: {  	[smem:$0x3F9C] =	sst lr;
	_ =	strace $0xD0000000  }
0x3: {  	_ = 	snop  }
0x4: {  	_ = 	snop  }
0x5: {  	_ = 	snop  }
0x6: {  	_ = 	snop  }
0x7: {  	_ = 	snop  }
__scs_overlays_trampoline_lowered:
0x8: {  	[smem:$0x3FAB] =	sst s0  }
0x9: {  	[smem:$0x3FAC] =	sst s1  }
0xa: {  	[smem:$0x3FAD] =	sst s2  }
0xb: {  	[smem:$0x3FAE] =	sst s3  }
0xc: {  	[smem:$0x3FAF] =	sst s4  }
0xd: {  	[smem:$0x3FB0] =	sst s5  }
0xe: {  	[smem:$0x3FB1] =	sst s6  }
0xf: {  	[smem:$0x3FB2] =	sst s7  }
0x10: {  	[smem:$0x3FB3] =	sst s8  }
0x11: {  	[smem:$0x3FB4] =	sst s9;
	s0 =	simm.s32 @!p0 $0x0  }
0x12: {  	s1 =	sld [smem:$0x3F9A];
	s0 =	simm.s32 @p0 $0x1  }
0x13: {  	[smem:$0x3FB5] =	sst s0;
	s0 =	simm.s32 @!p1 $0x0  }
0x14: {  	s2 =	sld [smem:$0x3F99];
	s0 =	simm.s32 @p1 $0x1  }
0x15: {  	[smem:$0x3FB6] =	sst s0;
	s0 =	simm.s32 @!p2 $0x0  }
0x16: {  	s3 =	sld [smem:$0x3FDB];
	s0 =	simm.s32 @p2 $0x1  }
0x17: {  	s4 =	simm.s32 $0x1BF5;
	[smem:$0x3FB8] =	sst s0  }
0x18: {  	s0 =	sld [smem:$0x3F9B];
	_ =	swait.ge [sflag:s4], $0x0  }
0x19: {  	s7 =	sld [smem:$0x3F9C]  }
0x1a: {  	s8 =	sadd.s32 $0xFFFFE003, lr  }
0x1b: {  	s9 =	sadd.s32 $0xFFFFFEF7, lr;
	s5 =	simm.s32 $0xFFFFFFFF;
	p2 =	slt.u32 s8, $0xFFFFF086  }
0x1c: {  	p1 =	slt.u32 s9, $0xF7A;
	s5 =	simm.s32 @!p2 $0x0  }
0x1d: {  	s5 =	simm.s32 @p1 $0x1;
	p0 =	seq.s32 s7, s2  }
0x1e: {  	s7 =	smul.u32 @!p0 $0xF7A, s2;
	p2 =	seq.s32 @!p0 s5, $0x0  }
0x1f: {  	s9 =	smul.u32 $0xF7A, s1;
	s8 =	simm.s32 @!p0 $0x1BF5;
	p2 =	por !p2, p0  }
0x20: {  	[sflag:s8] =	ssyncset.s32 @!p0 $0xFFFFF086;
	s6 =	sadd.s32 @!p0 s3, s7;
	s7 =	simm.s32 @!p0 $0x108  }
0x21: {  	s3 =	sadd.s32 s3, s9;
	s6 =	sadd.s32 @!p0 $0x88, s6;
	s7 =	simm.s32 @p2 $0x1082  }
0x22: {  	[simem:s7], [sflag:s8] =	dma.local @!p0 [hbm:s6], $0xF7A  }
0x23: {  	s9 =	sor.u32 $0xD0000000, s2;
	s6 =	simm.s32 $0x108;
	_ =	swait.ge @!p0 [sflag:s8], $0x0  }
0x24: {  	s3 =	sadd.s32 $0x88, s3;
	s6 =	simm.s32 @!p1 $0x1082;
	[sflag:s4] =	ssyncset.s32 $0xFFFFF086  }
0x25: {  	[simem:s6], [sflag:s4] =	dma.local [hbm:s3], $0xF7A  }
0x26: {  	[smem:$0x3F9C] =	sst s1;
	(tag) =	ssettag s2;
	_ =	strace s9  }
0x27: {  	s1 =	sld [smem:$0x3FAC]  }
0x28: {  	s2 =	sld [smem:$0x3FAD]  }
0x29: {  	s4 =	sld [smem:$0x3FAF]  }
0x2a: {  	p0 =	seq.s32 s5, $0x0;
	s5 =	sld [smem:$0x3FB0]  }
0x2b: {  	s6 =	sld [smem:$0x3FB1]  }
0x2c: {  	s7 =	sld [smem:$0x3FB2]  }
0x2d: {  	s3 =	simm.s32 $0x108;
	s8 =	sld [smem:$0x3FB3]  }
0x2e: {  	s3 =	simm.s32 @!p0 $0x1082;
	s9 =	sld [smem:$0x3FB4]  }
0x2f: {  	lr =	sadd.s32 s0, s3;
	s0 =	sld [smem:$0x3FAB]  }
0x30: {  	s3 =	sld [smem:$0x3FAE]  }
0x31: {  	[smem:$0x3FB7] =	sst s10  }
0x32: {  	s10 =	sld [smem:$0x3FB5];
	_ =	sdelay $0x3  }
0x33: {  	p0 =	seq.s32 s10, $0x1;
	s10 =	sld [smem:$0x3FB7];
	_ =	sdelay $0x3  }
0x34: {  	[smem:$0x3FB7] =	sst s10  }
0x35: {  	s10 =	sld [smem:$0x3FB6];
	_ =	sdelay $0x3  }
0x36: {  	p1 =	seq.s32 s10, $0x1;
	s10 =	sld [smem:$0x3FB7];
	_ =	sdelay $0x3  }
0x37: {  	[smem:$0x3FB7] =	sst s10  }
0x38: {  	s10 =	sld [smem:$0x3FB8]  }
0x39: {  	_ = 	snop;
	(pc) =	sbr.ind lr, $3  }
0x3a: {  	_ = 	snop  }
0x3b: {  	_ = 	snop  }
0x3c: {  	p2 =	seq.s32 s10, $0x1;
	s10 =	sld [smem:$0x3FB7]  }
0x3d: {  	_ =	shalt  }
0x3e: {  	_ =	shalt  }
0x3f: {  	_ =	shalt  }
0x40: {  	_ =	shalt  }
0x41: {  	_ =	shalt  }
0x42: {  	_ =	shalt  }
0x43: {  	_ =	shalt  }
0x44: {  	_ =	shalt  }
0x45: {  	_ =	shalt  }
0x46: {  	_ =	shalt  }
0x47: {  	_ =	shalt  }
0x48: {  	_ =	shalt  }
0x49: {  	_ =	shalt  }
0x4a: {  	_ =	shalt  }
0x4b: {  	_ =	shalt  }
0x4c: {  	_ =	shalt  }
0x4d: {  	_ =	shalt  }
0x4e: {  	_ =	shalt  }
0x4f: {  	_ =	shalt  }
0x50: {  	_ =	shalt  }
0x51: {  	_ =	shalt  }
0x52: {  	_ =	shalt  }
0x53: {  	_ =	shalt  }
0x54: {  	_ =	shalt  }
0x55: {  	_ =	shalt  }
0x56: {  	_ =	shalt  }
0x57: {  	_ =	shalt  }
0x58: {  	_ =	shalt  }
0x59: {  	_ =	shalt  }
0x5a: {  	_ =	shalt  }
0x5b: {  	_ =	shalt  }
0x5c: {  	_ =	shalt  }
0x5d: {  	_ =	shalt  }
0x5e: {  	_ =	shalt  }
0x5f: {  	_ =	shalt  }
0x60: {  	_ =	shalt  }
0x61: {  	_ =	shalt  }
0x62: {  	_ =	shalt  }
0x63: {  	_ =	shalt  }
0x64: {  	_ =	shalt  }
0x65: {  	_ =	shalt  }
0x66: {  	_ =	shalt  }
0x67: {  	_ =	shalt  }
0x68: {  	_ =	shalt  }
0x69: {  	_ =	shalt  }
0x6a: {  	_ =	shalt  }
0x6b: {  	_ =	shalt  }
0x6c: {  	_ =	shalt  }
0x6d: {  	_ =	shalt  }
0x6e: {  	_ =	shalt  }
0x6f: {  	_ =	shalt  }
0x70: {  	_ =	shalt  }
0x71: {  	_ =	shalt  }
0x72: {  	_ =	shalt  }
0x73: {  	_ =	shalt  }
0x74: {  	_ =	shalt  }
0x75: {  	_ =	shalt  }
0x76: {  	_ =	shalt  }
0x77: {  	_ =	shalt  }
0x78: {  	_ =	shalt  }
0x79: {  	_ =	shalt  }
0x7a: {  	_ =	shalt  }
0x7b: {  	_ =	shalt  }
0x7c: {  	_ =	shalt  }
0x7d: {  	_ =	shalt  }
0x7e: {  	_ =	shalt  }
0x7f: {  	_ =	shalt  }
0x80: {  	_ =	shalt  }
0x81: {  	_ =	shalt  }
0x82: {  	_ =	shalt  }
0x83: {  	_ =	shalt  }
0x84: {  	_ =	shalt  }
0x85: {  	_ =	shalt  }
0x86: {  	_ =	shalt  }
0x87: {  	_ =	shalt  }
.Lfunc_end0:
.L_simem_size_0:
called_computation_lowered:
.L_overlay_start_0:
0x88: {  	s2 =	sld [smem:$0x3FD9]  }
0x89: {  	s3 =	sld [smem:$0x3FFE];
	_ =	sdelay $0x1  }
0x8a: {  	s1 =	srdreg.scid  }
0x8b: {  	s0 =	sand.u32 $0x1, s1  }
0x8c: {  	s17 =	sshll.u32 s0, $0xA;
	s2 =	sadd.s32 s3, s2  }
0x8d: {  	s2 =	sadd.s32 s2, s17  }
0x8e: {  	[smem:$0x3FC3] =	sst s2  }
0x8f: {  	_ = 	snop  }
0x90: {  	s2 =	sld [smem:$0x3FD0];
	(tm) =	ssettm $0x1  }
0x91: {  	s18 =	sld [smem:$0x3FFB];
	_ =	sdelay $0x3  }
0x92: {  	_ =	strace s18  }
0x93: {  	s3 =	sld [smem:$0x3FFC];
	_ =	sdelay $0x3  }
0x94: {  	_ =	strace s3  }
0x95: {  	s3 =	sld [smem:$0x3FFD];
	_ =	sdelay $0x3  }
0x96: {  	_ =	strace s3  }
0x97: {  	_ =	strace $0x8FFFFFFF  }
0x98: {  	s19 =	sld [smem:$0x3FDB];
	_ =	sdelay $0x1  }
0x99: {  	s4 =	simm.s32 $_scs_section_size  }
0x9a: {  	s5 =	simm.s32 $_size__tile_overlayer_lowered;
	s6 =	simm.s32 $_tile_overlayer_lowered  }
0x9b: {  	s22 =	simm.s32 $0x1BFF;
	s21 =	sshll.u32 s6, $0x1;
	s3 =	sadd.s32 s4, s19  }
0x9c: {  	s7 =	simm.s32 $0x0;
	s20 =	sshll.u32 s5, $0x1;
	s5 =	sadd.s32 s21, s3  }
0x9d: {  	[timem:s7], [sflag:s22] =	dma.local [hbm:s5], s20  }
0x9e: {  	_ =	swait.ge [sflag:s22], s20  }
0x9f: {  	s4 =	ssub.s32 $0x0, s20;
	[sflag:s22] =	ssyncset.done $0x0  }
0xa0: {  	[sflag:s22] =	ssyncadd.s32 s4;
	_ =	sdelay $0x1  }
0xa1: {  	s23 =	simm.s32 $0x1B8B  }
0xa2: {  	_ =	swait.ge [sflag:s23], $0x1  }
0xa3: {  	[sflag:s23] =	ssyncset.done $0x0  }
0xa4: {  	s25 =	simm.s32 $0x1B8E;
	s24 =	sld [smem:$0x3FFE];
	[sflag:s23] =	ssyncadd.s32 $0xFFFFFFFF  }
0xa5: {  	s26 =	simm.s32 $execute0_lowered;
	[smem:$0x3FD2] =	sst s25  }
0xa6: {  	s5 =	sshll.u32 s26, $0x1;
	_ =	strace $0x80000046;
	[dreg:$0x1] =	wrdreg $0xFFFFFFFF  }
0xa7: {  	s28 =	simm.s32 $_size_execute0_lowered;
	s3 =	sadd.s32 s3, s5;
	[dreg:$0x0] =	wrdreg $0x0  }
0xa8: {  	s5 =	sshll.u32 s28, $0x1;
	[dreg:$0x2] =	wrdreg s3  }
0xa9: {  	[dreg:$0x3] =	wrdreg s5  }
0xaa: {  	[dreg:$0x4] =	wrdreg $0xC0  }
0xab: {  	_ =	task [dreg:s7], $0x5FFFF  }
0xac: {  	[dreg:$0x1] =	wrdreg $0xFFFFFFFF  }
0xad: {  	[dreg:$0x0] =	wrdreg $0x60  }
0xae: {  	[dreg:$0x2] =	wrdreg s24  }
0xaf: {  	[dreg:$0x3] =	wrdreg s2  }
0xb0: {  	[dreg:$0x4] =	wrdreg $0x9  }
0xb1: {  	_ =	task.clear_ibuf [dreg:s7], $0x5FFFF;
	_ =	strace $0x90000046  }
0xb2: {  	s29 =	simm.s32 $0x9;
	_ =	strace $0x80000048  }
0xb3: {  	_ =	swait.ge [sflag:s29], $0x1  }
0xb4: {  	[sflag:s29] =	ssyncadd.s32 $0xFFFFFFFF  }
0xb5: {  	_ =	strace $0x90000048  }
0xb6: {  	_ =	sfence  }
0xb7: {  	s30 =	sld [smem:$0x0];
	_ =	sdelay $0x2  }
0xb8: {  	s31 =	sshll.u32 s1, $0xD;
	s1 =	sshrl.u32 s1, $0x2  }
0xb9: {  	s3 =	sand.u32 $0x4000, s31;
	s1 =	sadd.s32 s1, s30  }
0xba: {  	s0 =	sor.u32 s3, s0;
	s1 =	sshll.u32 s1, $0x11  }
0xbb: {  	s0 =	sor.u32 s1, s0  }
0xbc: {  	s0 =	sadd.s32 $0x8F2B, s0  }
0xbd: {  	[sflag:s0] =	ssyncadd.remote.s32 $0x1  }
0xbe: {  	_ =	sfence.sel $0xFFFF  }
0xbf: {  	[dreg:$0x0] =	wrdreg $0xFFFFFFFF;
	(pc) =	sbr.abs _section_cstart, $3  }
0xc0: {  	[dreg:$0x1] =	wrdreg $0xFFFFFFFF  }
0xc1: {  	_ =	task.clear_ibuf [dreg:s7], $0x2FFFF;
	_ =	strace $0x9FFFFFFF  }
0xc2: {  	(tm) =	ssettm $0x7FFFFFFF  }
0xc3: {  	_ =	shalt  }
tec
execute0_lowered:
.L_overlay_start_1:
0x0: {  	(tag) =	ssettag $0x1  }
0x1: {  	s3 =	rddreg [dreg:$0x0]  }
0x2: {  	s4 =	rddreg [dreg:$0x1];
	s2 =	srdreg.scid  }
0x3: {  	s0 =	rddreg [dreg:$0x2];
	s1 =	stileid.u32  }
0x4: {  	s9 =	simm.s32 $0x3;
	s10 =	simm.s32 $0x80;
	s11 =	simm.s32 $0x180  }
0x5: {  	s12 =	simm.s32 $0x980;
	s13 =	simm.s32 $0x1180;
	s14 =	simm.s32 $0x1980  }
0x6: {  	s15 =	simm.s32 $0x2180;
	s16 =	simm.s32 $0x2980;
	s17 =	simm.s32 $0x3180  }
0x7: {  	s18 =	simm.s32 $0x3980;
	s19 =	simm.s32 $0x4180;
	s20 =	simm.s32 $0x4980  }
0x8: {  	s21 =	simm.s32 $0x5180;
	s22 =	simm.s32 $0x5980;
	s23 =	simm.s32 $0x6180  }
0x9: {  	s24 =	simm.s32 $0x6980;
	s25 =	simm.s32 $0x7180;
	s26 =	simm.s32 $0x7980  }
0xa: {  	s28 =	simm.s32 $0x1;
	s29 =	simm.s32 $0x2;
	s5 =	sand.u32 $0x1, s2  }
0xb: {  	s2 =	simm.s32 $0x0;
	s6 =	sshll.u32 s1, $0x8;
	s7 =	sshll.u32 s5, $0x7  }
0xc: {  	[smem:$0x7FF] =	sst s2;
	s5 =	ssub.s32 $0x2, s5;
	s6 =	sor.u32 s7, s6  }
0xd: {  	_ =	strace $0x80000047;
	s8 =	sshrl.u32 s5, $0x1;
	s7 =	sshrl.u32 s6, $0x3  }
0xe: {  	v2 =	vlaneseq.u32;
	s6 =	sshll.u32 s6, $0x5;
	s8 =	ssub.s32 s5, s8;
	s7 =	sadd.s32 s7, s3  }
0xf: {  	vm0 =	vmmov $0xffff;
	v1 =	vshrl.u32 v2, $0x3;
	s3 =	sadd.s32 $0x2800, s3;
	s4 =	sadd.s32 s4, s6;
	s8 =	smax.u32 s8, $0x1  }
0x10: {  	v0 =	vand.u32 $0x7, v2;
	v2 =	vor.u32 $0x8, v2;
	v1 =	vmul.u32 $0x8, v1;
	s5 =	sadd.s32 $0x2000, s7;
	s6 =	sadd.s32 $0x1800, s7;
	s7 =	sadd.s32 $0x800, s4  }
.LBB2_1:
0x11: {  	[tilespmem:s2], [sflag:$0x3] =	stream.linear.gather [hbm4b:s5+s2], $0x80, $0x38;
	[tilespmem:$0x8180] =	vst v63  }
0x12: {  	_ =	swait.ge [sflag:s9], $0x80  }
0x13: {  	[sflag:s9] =	ssyncset.done $0x0  }
0x14: {  	[sflag:s9] =	ssyncadd.s32 $0xFFFFFF80  }
0x15: {  	[tilespmem:s10], [sflag:$0x3] =	stream.linear.gather [hbm4b:s6+s2], $0x80, $0x38;
	[tilespmem:$0x8180] =	vst v63  }
0x16: {  	_ =	swait.ge [sflag:s9], $0x80  }
0x17: {  	[sflag:s9] =	ssyncset.done $0x0  }
0x18: {  	[sflag:s9] =	ssyncadd.s32 $0xFFFFFF80  }
0x19: {  	v3 =	vld [tilespmem:$0x0]  }
0x1a: {  	v4 =	vld [tilespmem:$0x80]  }
0x1b: {  	v5 =	vld [tilespmem:$0x10]  }
0x1c: {  	v6 =	vld [tilespmem:$0x90]  }
0x1d: {  	v7 =	vld [tilespmem:$0x20]  }
0x1e: {  	v8 =	vld [tilespmem:$0xA0]  }
0x1f: {  	v9 =	vld [tilespmem:$0x30]  }
0x20: {  	v10 =	vld [tilespmem:$0xB0]  }
0x21: {  	v11 =	vld [tilespmem:$0x40]  }
0x22: {  	v12 =	vld [tilespmem:$0xC0]  }
0x23: {  	v13 =	vld [tilespmem:$0x50]  }
0x24: {  	v14 =	vld [tilespmem:$0xD0]  }
0x25: {  	v15 =	vld [tilespmem:$0x60];
	v3 =	vmul.f32 $9.900000000e+01, v3  }
0x26: {  	v40 =	vld [tilespmem:$0x70];
	v4 =	vmul.f32 $9.900000000e+01, v4;
	v5 =	vmul.f32 $9.900000000e+01, v5  }
0x27: {  	v43 =	vld [tilespmem:$0xF0];
	v6 =	vmul.f32 $9.900000000e+01, v6;
	v7 =	vmul.f32 $9.900000000e+01, v7  }
0x28: {  	v8 =	vmul.f32 $9.900000000e+01, v8;
	v9 =	vmul.f32 $9.900000000e+01, v9  }
0x29: {  	v10 =	vmul.f32 $9.900000000e+01, v10;
	v11 =	vmul.f32 $9.900000000e+01, v11  }
0x2a: {  	v12 =	vmul.f32 $9.900000000e+01, v12;
	v39 =	vmul.f32 $9.900000000e+01, v13  }
0x2b: {  	v14 =	vmul.f32 $9.900000000e+01, v14;
	v15 =	vmul.f32 $9.900000000e+01, v15  }
0x2c: {  	v13 =	vmul.f32 $9.900000000e+01, v40;
	v50 =	vmul.f32 $9.900000000e+01, v43  }
0x2d: {  	v3 =	vtrunc.f32 v3;
	v4 =	vtrunc.f32 v4  }
0x2e: {  	v5 =	vtrunc.f32 v5;
	v6 =	vtrunc.f32 v6  }
0x2f: {  	v7 =	vtrunc.f32 v7;
	v8 =	vtrunc.f32 v8  }
0x30: {  	v9 =	vtrunc.f32 v9;
	v10 =	vtrunc.f32 v10  }
0x31: {  	v11 =	vtrunc.f32 v11;
	v38 =	vtrunc.f32 v12  }
0x32: {  	v12 =	vtrunc.f32 v39;
	v42 =	vtrunc.f32 v14  }
0x33: {  	v45 =	vtrunc.f32 v15;
	v48 =	vtrunc.f32 v13  }
0x34: {  	v53 =	vtrunc.f32 v50;
	v3 =	vcvt.f32.s32 v3  }
0x35: {  	v37 =	vld [tilespmem:$0xE0];
	v4 =	vcvt.f32.s32 v4;
	v5 =	vcvt.f32.s32 v5  }
0x36: {  	v6 =	vcvt.f32.s32 v6;
	v7 =	vcvt.f32.s32 v7  }
0x37: {  	v8 =	vcvt.f32.s32 v8;
	v9 =	vcvt.f32.s32 v9  }
0x38: {  	v35 =	vcvt.f32.s32 v10;
	v36 =	vcvt.f32.s32 v11  }
0x39: {  	v41 =	vcvt.f32.s32 v12;
	v44 =	vcvt.f32.s32 v42;
	v3 =	vmul.u32 $0x68, v3  }
0x3a: {  	v11 =	vmul.f32 $9.900000000e+01, v37;
	v12 =	vcvt.f32.s32 v45;
	v5 =	vmul.u32 $0x68, v5  }
0x3b: {  	v7 =	vmul.u32 $0x68, v7;
	v9 =	vmul.u32 $0x68, v9;
	v3 =	vadd.s32 v4, v3  }
0x3c: {  	v10 =	vmul.u32 $0x68, v36;
	v47 =	vtrunc.f32 v11;
	v46 =	vshll.u32 v3, $0x1  }
0x3d: {  	v49 =	vmul.u32 $0x68, v41;
	v4 =	vand.u32 $0x7, v4;
	v15 =	vand.u32 $0xFFFFFFF0, v46  }
0x3e: {  	v11 =	vcvt.f32.s32 v48;
	v5 =	vadd.s32 v6, v5;
	[tilespmem:$0x100] =	vst v3;
	v3 =	vor.u32 v4, v15  }
0x3f: {  	v7 =	vadd.s32 v8, v7;
	v8 =	vcvt.f32.s32 v38;
	[tilespmem:$0x110] =	vst v5;
	v51 =	vperm.xlane v3, v0  }
0x40: {  	v6 =	vadd.s32 v35, v9;
	v55 =	vmul.u32 $0x68, v11;
	[tilespmem:$0x120] =	vst v7;
	v5 =	vadd.s32 v44, v49  }
0x41: {  	[tilespmem:$0x130] =	vst v6;
	v6 =	vcvt.f32.s32 v53;
	v3 =	vperm.xlane v3, v2;
	v54 =	vadd.s32 v1, v51  }
0x42: {  	v52 =	vmul.u32 $0x68, v12;
	v8 =	vadd.s32 v8, v10;
	[tilespmem:$0x150] =	vst v5;
	v4 =	vcvt.f32.s32 v47  }
0x43: {  	[tilespmem:$0x140] =	vst v8;
	v56 =	vadd.s32 v6, v55;
	v3 =	vadd.s32 v1, v3  }
0x44: {  	[tilespmem:$0x170] =	vst v56;
	v4 =	vadd.s32 v4, v52  }
0x45: {  	[tilespmem:$0x160] =	vst v4  }
0x46: {  	[tilespmem:s11], [sflag:$0x1] =	stream.indirect_vreg.gather [hbm4b:s3+s2], $0x80, v54, vm0, $0xb8;
	[tilespmem:$0x8180] =	vst v63  }
0x47: {  	_ = 	snop  }
0x48: {  	[tilespmem:s12], [sflag:$0x1] =	stream.indirect_vreg.gather [hbm4b:s3+s2], $0x80, v3, vm0, $0xb8;
	[tilespmem:$0x8180] =	vst v63  }
0x49: {  	v3 =	vld [tilespmem:$0x110];
	_ =	sdelay $0x4  }
0x4a: {  	v57 =	vshll.u32 v3, $0x1  }
0x4b: {  	v3 =	vand.u32 $0x7, v3;
	v4 =	vand.u32 $0xFFFFFFF0, v57  }
0x4c: {  	v3 =	vor.u32 v3, v4  }
0x4d: {  	v4 =	vperm.xlane v3, v0;
	_ =	sdelay $0x1  }
0x4e: {  	v3 =	vperm.xlane v3, v2;
	v4 =	vadd.s32 v1, v4;
	_ =	sdelay $0x1  }
0x4f: {  	v3 =	vadd.s32 v1, v3;
	_ =	sdelay $0x2  }
0x50: {  	[tilespmem:s13], [sflag:$0x1] =	stream.indirect_vreg.gather [hbm4b:s3+s2], $0x80, v4, vm0, $0xb8;
	[tilespmem:$0x8180] =	vst v63  }
0x51: {  	_ = 	snop  }
0x52: {  	[tilespmem:s14], [sflag:$0x1] =	stream.indirect_vreg.gather [hbm4b:s3+s2], $0x80, v3, vm0, $0xb8;
	[tilespmem:$0x8180] =	vst v63  }
0x53: {  	v3 =	vld [tilespmem:$0x120];
	_ =	sdelay $0x4  }
0x54: {  	v58 =	vshll.u32 v3, $0x1  }
0x55: {  	v3 =	vand.u32 $0x7, v3;
	v4 =	vand.u32 $0xFFFFFFF0, v58  }
0x56: {  	v3 =	vor.u32 v3, v4  }
0x57: {  	v4 =	vperm.xlane v3, v0;
	_ =	sdelay $0x1  }
0x58: {  	v3 =	vperm.xlane v3, v2;
	v4 =	vadd.s32 v1, v4;
	_ =	sdelay $0x1  }
0x59: {  	v3 =	vadd.s32 v1, v3;
	_ =	sdelay $0x2  }
0x5a: {  	[tilespmem:s15], [sflag:$0x1] =	stream.indirect_vreg.gather [hbm4b:s3+s2], $0x80, v4, vm0, $0xb8;
	[tilespmem:$0x8180] =	vst v63  }
0x5b: {  	_ = 	snop  }
0x5c: {  	[tilespmem:s16], [sflag:$0x1] =	stream.indirect_vreg.gather [hbm4b:s3+s2], $0x80, v3, vm0, $0xb8;
	[tilespmem:$0x8180] =	vst v63  }
0x5d: {  	v3 =	vld [tilespmem:$0x130];
	_ =	sdelay $0x4  }
0x5e: {  	v59 =	vshll.u32 v3, $0x1  }
0x5f: {  	v3 =	vand.u32 $0x7, v3;
	v4 =	vand.u32 $0xFFFFFFF0, v59  }
0x60: {  	v3 =	vor.u32 v3, v4  }
0x61: {  	v4 =	vperm.xlane v3, v0;
	_ =	sdelay $0x1  }
0x62: {  	v3 =	vperm.xlane v3, v2;
	v4 =	vadd.s32 v1, v4;
	_ =	sdelay $0x1  }
0x63: {  	v3 =	vadd.s32 v1, v3;
	_ =	sdelay $0x2  }
0x64: {  	[tilespmem:s17], [sflag:$0x1] =	stream.indirect_vreg.gather [hbm4b:s3+s2], $0x80, v4, vm0, $0xb8;
	[tilespmem:$0x8180] =	vst v63  }
0x65: {  	_ = 	snop  }
0x66: {  	[tilespmem:s18], [sflag:$0x1] =	stream.indirect_vreg.gather [hbm4b:s3+s2], $0x80, v3, vm0, $0xb8;
	[tilespmem:$0x8180] =	vst v63  }
0x67: {  	v3 =	vld [tilespmem:$0x140];
	_ =	sdelay $0x4  }
0x68: {  	v60 =	vshll.u32 v3, $0x1  }
0x69: {  	v3 =	vand.u32 $0x7, v3;
	v4 =	vand.u32 $0xFFFFFFF0, v60  }
0x6a: {  	v3 =	vor.u32 v3, v4  }
0x6b: {  	v4 =	vperm.xlane v3, v0;
	_ =	sdelay $0x1  }
0x6c: {  	v3 =	vperm.xlane v3, v2;
	v4 =	vadd.s32 v1, v4;
	_ =	sdelay $0x1  }
0x6d: {  	v3 =	vadd.s32 v1, v3;
	_ =	sdelay $0x2  }
0x6e: {  	[tilespmem:s19], [sflag:$0x2] =	stream.indirect_vreg.gather [hbm4b:s3+s2], $0x80, v4, vm0, $0xb8;
	[tilespmem:$0x8180] =	vst v63  }
0x6f: {  	_ = 	snop  }
0x70: {  	[tilespmem:s20], [sflag:$0x2] =	stream.indirect_vreg.gather [hbm4b:s3+s2], $0x80, v3, vm0, $0xb8;
	[tilespmem:$0x8180] =	vst v63  }
0x71: {  	v3 =	vld [tilespmem:$0x150];
	_ =	sdelay $0x4  }
0x72: {  	v61 =	vshll.u32 v3, $0x1  }
0x73: {  	v3 =	vand.u32 $0x7, v3;
	v4 =	vand.u32 $0xFFFFFFF0, v61  }
0x74: {  	v3 =	vor.u32 v3, v4  }
0x75: {  	v4 =	vperm.xlane v3, v0;
	_ =	sdelay $0x1  }
0x76: {  	v3 =	vperm.xlane v3, v2;
	v4 =	vadd.s32 v1, v4;
	_ =	sdelay $0x1  }
0x77: {  	v3 =	vadd.s32 v1, v3;
	_ =	sdelay $0x2  }
0x78: {  	[tilespmem:s21], [sflag:$0x2] =	stream.indirect_vreg.gather [hbm4b:s3+s2], $0x80, v4, vm0, $0xb8;
	[tilespmem:$0x8180] =	vst v63  }
0x79: {  	_ = 	snop  }
0x7a: {  	[tilespmem:s22], [sflag:$0x2] =	stream.indirect_vreg.gather [hbm4b:s3+s2], $0x80, v3, vm0, $0xb8;
	[tilespmem:$0x8180] =	vst v63  }
0x7b: {  	v3 =	vld [tilespmem:$0x160];
	_ =	sdelay $0x4  }
0x7c: {  	v62 =	vshll.u32 v3, $0x1  }
0x7d: {  	v3 =	vand.u32 $0x7, v3;
	v4 =	vand.u32 $0xFFFFFFF0, v62  }
0x7e: {  	v3 =	vor.u32 v3, v4  }
0x7f: {  	v4 =	vperm.xlane v3, v0;
	_ =	sdelay $0x1  }
0x80: {  	v3 =	vperm.xlane v3, v2;
	v4 =	vadd.s32 v1, v4;
	_ =	sdelay $0x1  }
0x81: {  	v3 =	vadd.s32 v1, v3;
	_ =	sdelay $0x2  }
0x82: {  	[tilespmem:s23], [sflag:$0x2] =	stream.indirect_vreg.gather [hbm4b:s3+s2], $0x80, v4, vm0, $0xb8;
	[tilespmem:$0x8180] =	vst v63  }
0x83: {  	_ = 	snop  }
0x84: {  	[tilespmem:s24], [sflag:$0x2] =	stream.indirect_vreg.gather [hbm4b:s3+s2], $0x80, v3, vm0, $0xb8;
	[tilespmem:$0x8180] =	vst v63  }
0x85: {  	v3 =	vld [tilespmem:$0x170];
	_ =	sdelay $0x4  }
0x86: {  	v63 =	vshll.u32 v3, $0x1  }
0x87: {  	v3 =	vand.u32 $0x7, v3;
	v4 =	vand.u32 $0xFFFFFFF0, v63  }
0x88: {  	v3 =	vor.u32 v3, v4  }
0x89: {  	v4 =	vperm.xlane v3, v0;
	_ =	sdelay $0x1  }
0x8a: {  	v3 =	vperm.xlane v3, v2;
	v4 =	vadd.s32 v1, v4;
	_ =	sdelay $0x1  }
0x8b: {  	v3 =	vadd.s32 v1, v3;
	_ =	sdelay $0x2  }
0x8c: {  	[tilespmem:s25], [sflag:$0x2] =	stream.indirect_vreg.gather [hbm4b:s3+s2], $0x80, v4, vm0, $0xb8;
	[tilespmem:$0x8180] =	vst v63  }
0x8d: {  	_ = 	snop  }
0x8e: {  	[tilespmem:s26], [sflag:$0x2] =	stream.indirect_vreg.gather [hbm4b:s3+s2], $0x80, v3, vm0, $0xb8;
	[tilespmem:$0x8180] =	vst v63  }
0x8f: {  	_ =	swait.ge [sflag:s28], $0x4000  }
0x90: {  	[sflag:s28] =	ssyncset.done $0x0  }
0x91: {  	[sflag:s28] =	ssyncadd.s32 $0xFFFFC000  }
0x92: {  	[hbm4b:s4+s2] =	stream.linear.scatter [tilespmem:s11], [sflag:$0x3], $0x4000, $0x38;
	[tilespmem:$0x8180] =	vst v63  }
0x93: {  	_ =	swait.ge [sflag:s9], $0x4000  }
0x94: {  	[sflag:s9] =	ssyncset.done $0x0  }
0x95: {  	[sflag:s9] =	ssyncadd.s32 $0xFFFFC000  }
0x96: {  	_ =	swait.ge [sflag:s29], $0x4000  }
0x97: {  	p0 =	sne.s32 s8, $0x1;
	[sflag:s29] =	ssyncset.done $0x0  }
.Ltmp0:
0x98: {  	[sflag:s29] =	ssyncadd.s32 $0xFFFFC000;
	(pc) =	sbr.rel @p0 .LBB2_1-.Ltmp0, $4  }
0x99: {  	[hbm4b:s7+s2] =	stream.linear.scatter [tilespmem:s19], [sflag:$0x3], $0x4000, $0x38;
	[tilespmem:$0x8180] =	vst v63  }
0x9a: {  	_ =	swait.ge [sflag:s9], $0x4000  }
0x9b: {  	[sflag:s9] =	ssyncset.done $0x0  }
0x9c: {  	s8 =	sadd.s32 $0xFFFFFFFF, s8;
	[sflag:s9] =	ssyncadd.s32 $0xFFFFC000  }
0x9d: {  	_ =	sfence.sel $0x180000  }
0x9e: {  	[bflag:$0x0] =	sbarrier.arrive $0xFFFF  }
0x9f: {  	p0 =	sne.s32 s1, $0x0;
	_ =	strace $0x90000047  }
0xa0: {  	s0 =	sadd.s32 @!p0 $0x100000, s0;
	[bflag:$0x2] =	sbarrier.arrive $0xFFFF  }
0xa1: {  	[sflag:s0] =	ssyncadd.tile.s32 @!p0 $0x1;
	_ =	shalt  }
.Lfunc_end2:
_tile_overlayer_lowered:
.L_overlay_start_2:
0xa2: {  	(tag) =	ssettag $0x2  }
0xa3: {  	s0 =	rddreg [dreg:$0x0];
	s2 =	stileid.u32  }
0xa4: {  	s1 =	rddreg [dreg:$0x1];
	p0 =	sne.s32 s2, $0x0  }
0xa5: {  	s3 =	rddreg [dreg:$0x2];
	[bflag:$0x3] =	sbarrier.arrive $0xFFFF;
	s2 =	simm.s32 @!p0 $0x1C03  }
0xa6: {  	[timem:s3], [sflag:s2] =	dma.local @!p0 [hbm:s0], s1  }
0xa7: {  	s0 =	simm.s32 @!p0 $0x3  }
0xa8: {  	_ =	swait.ge @!p0 [sflag:s0], s1  }
0xa9: {  	s1 =	ssub.s32 @!p0 $0x0, s1;
	[sflag:s0] =	ssyncset.done @!p0 $0x0  }
0xaa: {  	[sflag:s0] =	ssyncadd.s32 @!p0 s1  }
0xab: {  	[bflag:$0x3] =	sbarrier.arrive $0xFFFF  }
0xac: {  	_ =	shalt  }

</sc_bundles>
